<compile_context>
chip_gen: v7x
topology: tpu7x:2x2x1
jax: 0.10.2.dev20260603
libtpu: 0.0.44.dev20260713+nightly
codegen_flags: <defaults>
</compile_context>

<pallas_src>
import functools

import jax
import jax.numpy as jnp
from jax import lax
from jax.experimental import pallas as pl
from jax.experimental.pallas import tpu as pltpu, tpu_sc as plsc

B = 16
L = 32
H = 768
NE = 50000
NR = 500
NRP = 512
T = 100000
STEPS = 3
WAYS = 2
HOPP = 128
VEC = 16
CH = 2000
NCH = T // CH
UNROLL = 5


def _dense_body(qe_ref, qwh_ref, mask_ref, sW_ref, sb_ref, rW_ref, rb_ref,
                hW_ref, hb_ref, reldist_ref, hop_ref):
    qe = qe_ref[...]
    qwh = qwh_ref[...]
    mask = mask_ref[...]
    for w in range(WAYS):
        for t in range(STEPS):
            wm = sW_ref[w, t]
            bm = sb_ref[w, t]
            cq = jnp.tanh(jnp.dot(qe, wm, preferred_element_type=jnp.float32)
                          + bm[None, :])
            ql = jnp.sum(cq[:, None, :] * qwh, axis=2)
            qmax = jnp.max(ql, axis=1, keepdims=True)
            qexp = jnp.exp(ql - qmax)
            qd = qexp / jnp.sum(qexp, axis=1, keepdims=True)
            qd = qd * mask
            qd = qd / (jnp.sum(qd, axis=1, keepdims=True) + 1e-06)
            ctx = jnp.sum(qd[:, :, None] * qwh, axis=1)
            rl = (jnp.dot(ctx, rW_ref[w], preferred_element_type=jnp.float32)
                  + rb_ref[w][None, :])
            reldist_ref[w, t] = 1.0 / (1.0 + jnp.exp(-rl))
        hl = (jnp.dot(qe, hW_ref[w], preferred_element_type=jnp.float32)
              + hb_ref[w][None, :])
        hmax = jnp.max(hl, axis=1, keepdims=True)
        hexp = jnp.exp(hl - hmax)
        hop_ref[w] = hexp / jnp.sum(hexp, axis=1, keepdims=True)


def _dense_call(qe, qwh, mask, sW, sb, rW, rb, hW, hb):
    return pl.pallas_call(
        _dense_body,
        out_shape=[jax.ShapeDtypeStruct((WAYS, STEPS, B, NRP), jnp.float32),
                   jax.ShapeDtypeStruct((WAYS, B, HOPP), jnp.float32)],
    )(qe, qwh, mask, sW, sb, rW, rb, hW, hb)


@functools.lru_cache(maxsize=1)
def _get_mp_kernel():
    mesh = plsc.VectorSubcoreMesh(core_axis_name="c", subcore_axis_name="s",
                                  num_cores=WAYS, num_subcores=B)
    return functools.partial(
        pl.kernel,
        out_type=jax.ShapeDtypeStruct((WAYS * STEPS * B * NE,), jnp.float32),
        mesh=mesh,
        scratch_types=[
            pltpu.VMEM((NE,), jnp.float32),
            pltpu.VMEM((NE,), jnp.float32),
            pltpu.VMEM((NRP,), jnp.float32),
            pltpu.VMEM((CH,), jnp.int32),
            pltpu.VMEM((CH,), jnp.int32),
            pltpu.VMEM((CH,), jnp.int32),
            pltpu.VMEM((CH,), jnp.int32),
            pltpu.SemaphoreType.DMA,
            pltpu.SemaphoreType.DMA,
            pltpu.SemaphoreType.DMA,
        ],
        compiler_params=pltpu.CompilerParams(needs_layout_passes=False),
    )(_mp_body)


def _mp_body(heads_hbm, pk_hbm, obj_hbm, reldist_hbm, out_hbm,
               buf_a, buf_b, relrow, pkv0, pkv1, obv0, obv1, sem0, sem1,
               sem_out):
    w = lax.axis_index("c")
    b = lax.axis_index("s")
    sems = (sem0, sem1)
    pks = (pkv0, pkv1)
    obs = (obv0, obv1)

    pltpu.sync_copy(heads_hbm.at[pl.ds(b * NE, NE)], buf_a)

    @functools.partial(plsc.parallel_loop, 0, NE // VEC, unroll=UNROLL)
    def _zero_b(i):
        buf_b[pl.ds(i * VEC, VEC)] = jnp.zeros((VEC,), jnp.float32)

    def issue(g, p):
        pltpu.async_copy(pk_hbm.at[pl.ds(b * T + g * CH, CH)], pks[p], sems[p])
        pltpu.async_copy(obj_hbm.at[pl.ds(b * T + g * CH, CH)], obs[p], sems[p])

    def wait(g, p):
        pltpu.make_async_copy(pk_hbm.at[pl.ds(b * T + g * CH, CH)], pks[p], sems[p]).wait()
        pltpu.make_async_copy(obj_hbm.at[pl.ds(b * T + g * CH, CH)], obs[p], sems[p]).wait()

    bufs = (buf_a, buf_b)
    for t in range(STEPS):
        src = bufs[t % 2]
        dst = bufs[(t + 1) % 2]
        pltpu.sync_copy(
            reldist_hbm.at[pl.ds(((w * STEPS + t) * B + b) * NRP, NRP)], relrow)
        if t >= 2:
            pltpu.make_async_copy(
                dst, out_hbm.at[pl.ds(((w * STEPS + t - 2) * B + b) * NE, NE)],
                sem_out).wait()

        issue(0, 0)
        issue(1, 1)

        def outer(g2, carry):
            for p in range(2):
                g = 2 * g2 + p
                wait(g, p)

                @functools.partial(plsc.parallel_loop, 0, CH // VEC,
                                   unroll=UNROLL)
                def _chunk(i):
                    sl = pl.ds(i * VEC, VEC)
                    w1 = pks[p][sl]
                    oi = obs[p][sl]
                    si = w1 & 0xFFFF
                    ri = lax.shift_right_logical(w1, 16)
                    sp = plsc.load_gather(src, [si])
                    rp = plsc.load_gather(relrow, [ri])
                    plsc.addupdate_scatter(dst, [oi], sp * rp)

                @pl.when(g2 < NCH // 2 - 1)
                def _():
                    issue(g + 2, p)
            return carry
        lax.fori_loop(0, NCH // 2, outer, 0)

        @functools.partial(plsc.parallel_loop, 0, NE // VEC, unroll=UNROLL)
        def _norm(i):
            sl = pl.ds(i * VEC, VEC)
            dst[sl] = jnp.minimum(dst[sl], 1.0)
            src[sl] = jnp.zeros((VEC,), jnp.float32)

        pltpu.async_copy(
            dst, out_hbm.at[pl.ds(((w * STEPS + t) * B + b) * NE, NE)], sem_out)

    for t in (STEPS - 2, STEPS - 1):
        pltpu.make_async_copy(
            bufs[(t + 1) % 2],
            out_hbm.at[pl.ds(((w * STEPS + t) * B + b) * NE, NE)],
            sem_out).wait()


BB = 8


def _combine_body(attn_ref, hr_ref, out_ref):
    a = attn_ref[...]
    hr = hr_ref[...]
    scores = []
    for w in range(WAYS):
        s = jnp.zeros((BB, NE), jnp.float32)
        for t in range(STEPS):
            s = s + a[w, :, t][:, None] * hr[w, t]
        scores.append(s)
    out_ref[...] = scores[0] * scores[1]


def _combine_call(hop_attn, hop_res):
    return pl.pallas_call(
        _combine_body,
        grid=(B // BB,),
        in_specs=[pl.BlockSpec((WAYS, BB, HOPP), lambda i: (0, i, 0)),
                  pl.BlockSpec((WAYS, STEPS, BB, NE), lambda i: (0, 0, i, 0))],
        out_specs=pl.BlockSpec((BB, NE), lambda i: (i, 0)),
        out_shape=jax.ShapeDtypeStruct((B, NE), jnp.float32),
    )(hop_attn, hop_res)


def kernel(heads, q_embeddings, q_word_h, attention_mask, triples,
           step_W, step_b, hop_W, hop_b, rel_W, rel_b):
    f32 = jnp.float32
    rW = jnp.concatenate([rel_W, jnp.zeros((WAYS, H, NRP - NR), f32)], axis=2)
    rb = jnp.concatenate([rel_b, jnp.zeros((WAYS, NRP - NR), f32)], axis=1)
    hW = jnp.concatenate([hop_W, jnp.zeros((WAYS, H, HOPP - STEPS), f32)], axis=2)
    hb = jnp.concatenate([hop_b, jnp.full((WAYS, HOPP - STEPS), -1e30, f32)], axis=1)

    reldist, hop_attn = _dense_call(q_embeddings, q_word_h, attention_mask,
                                    step_W, step_b, rW, rb, hW, hb)
    sub = triples[..., 0]
    rel = triples[..., 1]
    obj = triples[..., 2]
    packed = sub | (rel << 16)
    hop_res = _get_mp_kernel()(heads.reshape(-1), packed.reshape(-1),
                               obj.reshape(-1), reldist.reshape(-1))
    return _combine_call(hop_attn, hop_res.reshape(WAYS, STEPS, B, NE))

# --- scband reference (transcript-rebuilt; emitter-appended) ---
"""Pipeline reference for scband-graph-reasoning-model-79302276153731 (READ-ONLY COPY).

The authoritative reference and input builder live on the scoring server;
editing this copy changes nothing except your own understanding.
"""

import jax, jax.numpy as jnp
import numpy as np

B = 16      # batch
L = 32      # question length
H = 768     # bert hidden size
NE = 50000  # num entities
NR = 500    # num relations
T = 100000  # triples per sample
STEPS = 3   # num_steps
WAYS = 2    # num_ways


def setup_inputs(seed: int = 0) -> dict:
    key = jax.random.key(seed)
    ks = jax.random.split(key, 10)
    heads = jax.random.uniform(ks[0], (B, NE), dtype=jnp.float32)
    q_embeddings = jax.random.normal(ks[1], (B, H), dtype=jnp.float32)
    q_word_h = jax.random.normal(ks[2], (B, L, H), dtype=jnp.float32)
    attention_mask = jnp.ones((B, L), dtype=jnp.float32)
    sub = jax.random.randint(ks[3], (B, T), 0, NE, dtype=jnp.int32)
    rel = jax.random.randint(ks[4], (B, T), 0, NR, dtype=jnp.int32)
    obj = jax.random.randint(ks[5], (B, T), 0, NE, dtype=jnp.int32)
    triples = jnp.stack([sub, rel, obj], axis=-1)
    step_W = jax.random.normal(ks[6], (WAYS, STEPS, H, H), dtype=jnp.float32) * 0.02
    step_b = jnp.zeros((WAYS, STEPS, H), dtype=jnp.float32)
    hop_W = jax.random.normal(ks[7], (WAYS, H, STEPS), dtype=jnp.float32) * 0.02
    hop_b = jnp.zeros((WAYS, STEPS), dtype=jnp.float32)
    rel_W = jax.random.normal(ks[8], (WAYS, H, NR), dtype=jnp.float32) * 0.02
    rel_b = jnp.zeros((WAYS, NR), dtype=jnp.float32)
    return {"heads": heads, "q_embeddings": q_embeddings, "q_word_h": q_word_h,
            "attention_mask": attention_mask, "triples": triples,
            "step_W": step_W, "step_b": step_b, "hop_W": hop_W, "hop_b": hop_b,
            "rel_W": rel_W, "rel_b": rel_b}


def reference(heads, q_embeddings, q_word_h, attention_mask, triples,
              step_W, step_b, hop_W, hop_b, rel_W, rel_b):
    sub = triples[..., 0]  # [B, T]
    rel = triples[..., 1]
    obj = triples[..., 2]
    batch_offsets = jnp.arange(B, dtype=obj.dtype)[:, None] * NE
    e_score = []
    for w in range(WAYS):
        last_e = heads
        ent_probs = []
        for t in range(STEPS):
            # step encoder: Linear + Tanh
            cq_t = jnp.tanh(q_embeddings @ step_W[w, t] + step_b[w, t])  # [B, H]
            q_logits = jnp.sum(cq_t[:, None, :] * q_word_h, axis=2)      # [B, L]
            q_dist = jax.nn.softmax(q_logits, axis=1)
            q_dist = q_dist * attention_mask
            q_dist = q_dist / (jnp.sum(q_dist, axis=1, keepdims=True) + 1e-06)
            ctx_h = jnp.einsum('bl,blh->bh', q_dist, q_word_h)            # [B, H]
            rel_logit = ctx_h @ rel_W[w] + rel_b[w]                       # [B, NR]
            rel_dist = jax.nn.sigmoid(rel_logit)
            # message passing over triples: gather sub prob * rel prob, scatter-add to obj
            sub_p = jnp.take_along_axis(last_e, sub, axis=1)              # [B, T]
            rel_p = jnp.take_along_axis(rel_dist, rel, axis=1)            # [B, T]
            obj_p = sub_p * rel_p
            flat_ids = (obj + batch_offsets).reshape(-1)
            last_e = jax.ops.segment_sum(obj_p.reshape(-1), flat_ids,
                                         num_segments=B * NE).reshape(B, NE)
            m = (last_e > 1).astype(last_e.dtype)
            z = jax.lax.stop_gradient(m * last_e + (1 - m))
            last_e = last_e / z
            ent_probs.append(last_e)
        hop_res = jnp.stack(ent_probs, axis=1)                            # [B, STEPS, NE]
        hop_logit = q_embeddings @ hop_W[w] + hop_b[w]                    # [B, STEPS]
        hop_attn = jax.nn.softmax(hop_logit, axis=1)[:, :, None]
        e_score.append(jnp.sum(hop_res * hop_attn, axis=1))
    return jnp.prod(jnp.stack(e_score), axis=0)

if __name__ == "__main__":
    import jax
    _d = setup_inputs()
    print(jax.jit(kernel)(*tuple(_d.values())))

</pallas_src>

<mosaic_0001>
#map = affine_map<(d0, d1) -> (0)>
module attributes {stable_mosaic.version = 14 : i64} {
  func.func @_mp_body(%arg0: i32, %arg1: i32, %arg2: memref<800000xf32, #tpu.memory_space<hbm>>, %arg3: memref<1600000xi32, #tpu.memory_space<hbm>>, %arg4: memref<1600000xi32, #tpu.memory_space<hbm>>, %arg5: memref<49152xf32, #tpu.memory_space<hbm>>, %arg6: memref<4800000xf32, #tpu.memory_space<hbm>>, %arg7: memref<50000xf32, #tpu.memory_space<vmem>>, %arg8: memref<50000xf32, #tpu.memory_space<vmem>>, %arg9: memref<512xf32, #tpu.memory_space<vmem>>, %arg10: memref<2000xi32, #tpu.memory_space<vmem>>, %arg11: memref<2000xi32, #tpu.memory_space<vmem>>, %arg12: memref<2000xi32, #tpu.memory_space<vmem>>, %arg13: memref<2000xi32, #tpu.memory_space<vmem>>, %arg14: memref<!tpu.dma_semaphore, #tpu.memory_space<semaphore_mem>>, %arg15: memref<!tpu.dma_semaphore, #tpu.memory_space<semaphore_mem>>, %arg16: memref<!tpu.dma_semaphore, #tpu.memory_space<semaphore_mem>>) attributes {dimension_semantics = [#tpu.dimension_semantics<core_parallel>, #tpu.dimension_semantics<subcore_parallel>], iteration_bounds = array<i64: 2, 16>, scalar_prefetch = 0 : i64, scratch_operands = 10 : i64, tpu.core_type = #tpu.core_type<sc_vector_subcore>, window_params = [{transform_indices = #map}, {transform_indices = #map}, {transform_indices = #map}, {transform_indices = #map}, {transform_indices = #map}]} {
    %mul3A = arith.constant 50000 : i32
    %mul3A_0 = arith.muli %arg1, %mul3A : i32
    "tpu.region"() ({
      %run_scoped3A = tpu.sem_alloc : memref<!tpu.dma_semaphore, #tpu.memory_space<semaphore_mem>>
      %dma_start3A_181 = tpu.memref_slice %arg2[%mul3A_0] : memref<800000xf32, #tpu.memory_space<hbm>> -> memref<50000xf32, #tpu.memory_space<hbm>>
      %dma_start3A_182 = tpu.memref_slice %arg2[%mul3A_0] : memref<800000xf32, #tpu.memory_space<hbm>> -> memref<50000xf32, #tpu.memory_space<hbm>>
      tpu.enqueue_dma source(%dma_start3A_182 : memref<50000xf32, #tpu.memory_space<hbm>>) target(%arg7 : memref<50000xf32, #tpu.memory_space<vmem>>) target_semaphore(%run_scoped3A : memref<!tpu.dma_semaphore, #tpu.memory_space<semaphore_mem>>)
      %dma_wait3A_183 = tpu.memref_slice %arg2[%mul3A_0] : memref<800000xf32, #tpu.memory_space<hbm>> -> memref<50000xf32, #tpu.memory_space<hbm>>
      %dma_wait3A_184 = tpu.memref_slice %arg2[%mul3A_0] : memref<800000xf32, #tpu.memory_space<hbm>> -> memref<50000xf32, #tpu.memory_space<hbm>>
      tpu.wait_dma2 semaphore(%run_scoped3A : memref<!tpu.dma_semaphore, #tpu.memory_space<semaphore_mem>>) src(%dma_wait3A_184 : memref<50000xf32, #tpu.memory_space<hbm>>) dst(%arg7 : memref<50000xf32, #tpu.memory_space<vmem>>)
      tpu.yield
    }) : () -> ()
    %mul3A_1 = arith.constant 3 : i32
    %mul3A_2 = arith.muli %arg0, %mul3A_1 : i32
    %add3A = arith.constant 0 : i32
    %add3A_3 = arith.addi %mul3A_2, %add3A : i32
    %mul3A_4 = arith.constant 16 : i32
    %mul3A_5 = arith.muli %add3A_3, %mul3A_4 : i32
    %add3A_6 = arith.addi %mul3A_5, %arg1 : i32
    %mul3A_7 = arith.constant 512 : i32
    %mul3A_8 = arith.muli %add3A_6, %mul3A_7 : i32
    "tpu.region"() ({
      %run_scoped3A = tpu.sem_alloc : memref<!tpu.dma_semaphore, #tpu.memory_space<semaphore_mem>>
      %dma_start3A_181 = tpu.memref_slice %arg5[%mul3A_8] : memref<49152xf32, #tpu.memory_space<hbm>> -> memref<512xf32, #tpu.memory_space<hbm>>
      %dma_start3A_182 = tpu.memref_slice %arg5[%mul3A_8] : memref<49152xf32, #tpu.memory_space<hbm>> -> memref<512xf32, #tpu.memory_space<hbm>>
      tpu.enqueue_dma source(%dma_start3A_182 : memref<512xf32, #tpu.memory_space<hbm>>) target(%arg9 : memref<512xf32, #tpu.memory_space<vmem>>) target_semaphore(%run_scoped3A : memref<!tpu.dma_semaphore, #tpu.memory_space<semaphore_mem>>)
      %dma_wait3A_183 = tpu.memref_slice %arg5[%mul3A_8] : memref<49152xf32, #tpu.memory_space<hbm>> -> memref<512xf32, #tpu.memory_space<hbm>>
      %dma_wait3A_184 = tpu.memref_slice %arg5[%mul3A_8] : memref<49152xf32, #tpu.memory_space<hbm>> -> memref<512xf32, #tpu.memory_space<hbm>>
      tpu.wait_dma2 semaphore(%run_scoped3A : memref<!tpu.dma_semaphore, #tpu.memory_space<semaphore_mem>>) src(%dma_wait3A_184 : memref<512xf32, #tpu.memory_space<hbm>>) dst(%arg9 : memref<512xf32, #tpu.memory_space<vmem>>)
      tpu.yield
    }) : () -> ()
    %mul3A_9 = arith.constant 100000 : i32
    %mul3A_10 = arith.muli %arg1, %mul3A_9 : i32
    %add3A_11 = arith.constant 0 : i32
    %add3A_12 = arith.addi %mul3A_10, %add3A_11 : i32
    %dma_start3A = tpu.memref_slice %arg3[%add3A_12] : memref<1600000xi32, #tpu.memory_space<hbm>> -> memref<2000xi32, #tpu.memory_space<hbm>>
    %dma_start3A_13 = tpu.memref_slice %arg3[%add3A_12] : memref<1600000xi32, #tpu.memory_space<hbm>> -> memref<2000xi32, #tpu.memory_space<hbm>>
    tpu.enqueue_dma source(%dma_start3A_13 : memref<2000xi32, #tpu.memory_space<hbm>>) target(%arg10 : memref<2000xi32, #tpu.memory_space<vmem>>) target_semaphore(%arg14 : memref<!tpu.dma_semaphore, #tpu.memory_space<semaphore_mem>>)
    %mul3A_14 = arith.constant 100000 : i32
    %mul3A_15 = arith.muli %arg1, %mul3A_14 : i32
    %add3A_16 = arith.constant 0 : i32
    %add3A_17 = arith.addi %mul3A_15, %add3A_16 : i32
    %dma_start3A_18 = tpu.memref_slice %arg4[%add3A_17] : memref<1600000xi32, #tpu.memory_space<hbm>> -> memref<2000xi32, #tpu.memory_space<hbm>>
    %dma_start3A_19 = tpu.memref_slice %arg4[%add3A_17] : memref<1600000xi32, #tpu.memory_space<hbm>> -> memref<2000xi32, #tpu.memory_space<hbm>>
    tpu.enqueue_dma source(%dma_start3A_19 : memref<2000xi32, #tpu.memory_space<hbm>>) target(%arg12 : memref<2000xi32, #tpu.memory_space<vmem>>) target_semaphore(%arg14 : memref<!tpu.dma_semaphore, #tpu.memory_space<semaphore_mem>>)
    %mul3A_20 = arith.constant 100000 : i32
    %mul3A_21 = arith.muli %arg1, %mul3A_20 : i32
    %add3A_22 = arith.constant 2000 : i32
    %add3A_23 = arith.addi %mul3A_21, %add3A_22 : i32
    %dma_start3A_24 = tpu.memref_slice %arg3[%add3A_23] : memref<1600000xi32, #tpu.memory_space<hbm>> -> memref<2000xi32, #tpu.memory_space<hbm>>
    %dma_start3A_25 = tpu.memref_slice %arg3[%add3A_23] : memref<1600000xi32, #tpu.memory_space<hbm>> -> memref<2000xi32, #tpu.memory_space<hbm>>
    tpu.enqueue_dma source(%dma_start3A_25 : memref<2000xi32, #tpu.memory_space<hbm>>) target(%arg11 : memref<2000xi32, #tpu.memory_space<vmem>>) target_semaphore(%arg15 : memref<!tpu.dma_semaphore, #tpu.memory_space<semaphore_mem>>)
    %mul3A_26 = arith.constant 100000 : i32
    %mul3A_27 = arith.muli %arg1, %mul3A_26 : i32
    %add3A_28 = arith.constant 2000 : i32
    %add3A_29 = arith.addi %mul3A_27, %add3A_28 : i32
    %dma_start3A_30 = tpu.memref_slice %arg4[%add3A_29] : memref<1600000xi32, #tpu.memory_space<hbm>> -> memref<2000xi32, #tpu.memory_space<hbm>>
    %dma_start3A_31 = tpu.memref_slice %arg4[%add3A_29] : memref<1600000xi32, #tpu.memory_space<hbm>> -> memref<2000xi32, #tpu.memory_space<hbm>>
    tpu.enqueue_dma source(%dma_start3A_31 : memref<2000xi32, #tpu.memory_space<hbm>>) target(%arg13 : memref<2000xi32, #tpu.memory_space<vmem>>) target_semaphore(%arg15 : memref<!tpu.dma_semaphore, #tpu.memory_space<semaphore_mem>>)
    %scan3A = arith.constant 0 : i32
    %scan3A_32 = arith.constant 0 : i32
    %scan3A_33 = arith.constant 25 : i32
    %scan3A_34 = arith.addi %scan3A_32, %scan3A_33 : i32
    %scan3A_35 = arith.constant 1 : i32
    scf.for %scan3A_181 = %scan3A_32 to %scan3A_34 step %scan3A_35  : i32 {
      %mul3A_182 = arith.constant 2 : i32
      %mul3A_183 = arith.muli %mul3A_182, %scan3A_181 : i32
      %add3A_184 = arith.constant 0 : i32
      %add3A_185 = arith.addi %mul3A_183, %add3A_184 : i32
      %mul3A_186 = arith.constant 100000 : i32
      %mul3A_187 = arith.muli %arg1, %mul3A_186 : i32
      %mul3A_188 = arith.constant 2000 : i32
      %mul3A_189 = arith.muli %add3A_185, %mul3A_188 : i32
      %add3A_190 = arith.addi %mul3A_187, %mul3A_189 : i32
      %dma_wait3A_191 = tpu.memref_slice %arg3[%add3A_190] : memref<1600000xi32, #tpu.memory_space<hbm>> -> memref<2000xi32, #tpu.memory_space<hbm>>
      %dma_wait3A_192 = tpu.memref_slice %arg3[%add3A_190] : memref<1600000xi32, #tpu.memory_space<hbm>> -> memref<2000xi32, #tpu.memory_space<hbm>>
      tpu.wait_dma2 semaphore(%arg14 : memref<!tpu.dma_semaphore, #tpu.memory_space<semaphore_mem>>) src(%dma_wait3A_192 : memref<2000xi32, #tpu.memory_space<hbm>>) dst(%arg10 : memref<2000xi32, #tpu.memory_space<vmem>>)
      %mul3A_193 = arith.constant 100000 : i32
      %mul3A_194 = arith.muli %arg1, %mul3A_193 : i32
      %mul3A_195 = arith.constant 2000 : i32
      %mul3A_196 = arith.muli %add3A_185, %mul3A_195 : i32
      %add3A_197 = arith.addi %mul3A_194, %mul3A_196 : i32
      %dma_wait3A_198 = tpu.memref_slice %arg4[%add3A_197] : memref<1600000xi32, #tpu.memory_space<hbm>> -> memref<2000xi32, #tpu.memory_space<hbm>>
      %dma_wait3A_199 = tpu.memref_slice %arg4[%add3A_197] : memref<1600000xi32, #tpu.memory_space<hbm>> -> memref<2000xi32, #tpu.memory_space<hbm>>
      tpu.wait_dma2 semaphore(%arg14 : memref<!tpu.dma_semaphore, #tpu.memory_space<semaphore_mem>>) src(%dma_wait3A_199 : memref<2000xi32, #tpu.memory_space<hbm>>) dst(%arg12 : memref<2000xi32, #tpu.memory_space<vmem>>)
      %lt3A = arith.constant 24 : i32
      %lt3A_200 = arith.cmpi slt, %scan3A_181, %lt3A : i32
      %convert_element_type3A = arith.extui %lt3A_200 : i1 to i32
      %cond3A = arith.constant 0 : i32
      %cond3A_201 = arith.cmpi ne, %convert_element_type3A, %cond3A : i32
      scf.if %cond3A_201 {
        %add3A_225 = arith.constant 2 : i32
        %add3A_226 = arith.addi %add3A_185, %add3A_225 : i32
        %mul3A_227 = arith.constant 100000 : i32
        %mul3A_228 = arith.muli %arg1, %mul3A_227 : i32
        %mul3A_229 = arith.constant 2000 : i32
        %mul3A_230 = arith.muli %add3A_226, %mul3A_229 : i32
        %add3A_231 = arith.addi %mul3A_228, %mul3A_230 : i32
        %dma_start3A_232 = tpu.memref_slice %arg3[%add3A_231] : memref<1600000xi32, #tpu.memory_space<hbm>> -> memref<2000xi32, #tpu.memory_space<hbm>>
        %dma_start3A_233 = tpu.memref_slice %arg3[%add3A_231] : memref<1600000xi32, #tpu.memory_space<hbm>> -> memref<2000xi32, #tpu.memory_space<hbm>>
        tpu.enqueue_dma source(%dma_start3A_233 : memref<2000xi32, #tpu.memory_space<hbm>>) target(%arg10 : memref<2000xi32, #tpu.memory_space<vmem>>) target_semaphore(%arg14 : memref<!tpu.dma_semaphore, #tpu.memory_space<semaphore_mem>>)
        %mul3A_234 = arith.constant 100000 : i32
        %mul3A_235 = arith.muli %arg1, %mul3A_234 : i32
        %mul3A_236 = arith.constant 2000 : i32
        %mul3A_237 = arith.muli %add3A_226, %mul3A_236 : i32
        %add3A_238 = arith.addi %mul3A_235, %mul3A_237 : i32
        %dma_start3A_239 = tpu.memref_slice %arg4[%add3A_238] : memref<1600000xi32, #tpu.memory_space<hbm>> -> memref<2000xi32, #tpu.memory_space<hbm>>
        %dma_start3A_240 = tpu.memref_slice %arg4[%add3A_238] : memref<1600000xi32, #tpu.memory_space<hbm>> -> memref<2000xi32, #tpu.memory_space<hbm>>
        tpu.enqueue_dma source(%dma_start3A_240 : memref<2000xi32, #tpu.memory_space<hbm>>) target(%arg12 : memref<2000xi32, #tpu.memory_space<vmem>>) target_semaphore(%arg14 : memref<!tpu.dma_semaphore, #tpu.memory_space<semaphore_mem>>)
      } else {
      }
      %mul3A_202 = arith.constant 2 : i32
      %mul3A_203 = arith.muli %mul3A_202, %scan3A_181 : i32
      %add3A_204 = arith.constant 1 : i32
      %add3A_205 = arith.addi %mul3A_203, %add3A_204 : i32
      %mul3A_206 = arith.constant 100000 : i32
      %mul3A_207 = arith.muli %arg1, %mul3A_206 : i32
      %mul3A_208 = arith.constant 2000 : i32
      %mul3A_209 = arith.muli %add3A_205, %mul3A_208 : i32
      %add3A_210 = arith.addi %mul3A_207, %mul3A_209 : i32
      %dma_wait3A_211 = tpu.memref_slice %arg3[%add3A_210] : memref<1600000xi32, #tpu.memory_space<hbm>> -> memref<2000xi32, #tpu.memory_space<hbm>>
      %dma_wait3A_212 = tpu.memref_slice %arg3[%add3A_210] : memref<1600000xi32, #tpu.memory_space<hbm>> -> memref<2000xi32, #tpu.memory_space<hbm>>
      tpu.wait_dma2 semaphore(%arg15 : memref<!tpu.dma_semaphore, #tpu.memory_space<semaphore_mem>>) src(%dma_wait3A_212 : memref<2000xi32, #tpu.memory_space<hbm>>) dst(%arg11 : memref<2000xi32, #tpu.memory_space<vmem>>)
      %mul3A_213 = arith.constant 100000 : i32
      %mul3A_214 = arith.muli %arg1, %mul3A_213 : i32
      %mul3A_215 = arith.constant 2000 : i32
      %mul3A_216 = arith.muli %add3A_205, %mul3A_215 : i32
      %add3A_217 = arith.addi %mul3A_214, %mul3A_216 : i32
      %dma_wait3A_218 = tpu.memref_slice %arg4[%add3A_217] : memref<1600000xi32, #tpu.memory_space<hbm>> -> memref<2000xi32, #tpu.memory_space<hbm>>
      %dma_wait3A_219 = tpu.memref_slice %arg4[%add3A_217] : memref<1600000xi32, #tpu.memory_space<hbm>> -> memref<2000xi32, #tpu.memory_space<hbm>>
      tpu.wait_dma2 semaphore(%arg15 : memref<!tpu.dma_semaphore, #tpu.memory_space<semaphore_mem>>) src(%dma_wait3A_219 : memref<2000xi32, #tpu.memory_space<hbm>>) dst(%arg13 : memref<2000xi32, #tpu.memory_space<vmem>>)
      %lt3A_220 = arith.constant 24 : i32
      %lt3A_221 = arith.cmpi slt, %scan3A_181, %lt3A_220 : i32
      %convert_element_type3A_222 = arith.extui %lt3A_221 : i1 to i32
      %cond3A_223 = arith.constant 0 : i32
      %cond3A_224 = arith.cmpi ne, %convert_element_type3A_222, %cond3A_223 : i32
      scf.if %cond3A_224 {
        %add3A_225 = arith.constant 2 : i32
        %add3A_226 = arith.addi %add3A_205, %add3A_225 : i32
        %mul3A_227 = arith.constant 100000 : i32
        %mul3A_228 = arith.muli %arg1, %mul3A_227 : i32
        %mul3A_229 = arith.constant 2000 : i32
        %mul3A_230 = arith.muli %add3A_226, %mul3A_229 : i32
        %add3A_231 = arith.addi %mul3A_228, %mul3A_230 : i32
        %dma_start3A_232 = tpu.memref_slice %arg3[%add3A_231] : memref<1600000xi32, #tpu.memory_space<hbm>> -> memref<2000xi32, #tpu.memory_space<hbm>>
        %dma_start3A_233 = tpu.memref_slice %arg3[%add3A_231] : memref<1600000xi32, #tpu.memory_space<hbm>> -> memref<2000xi32, #tpu.memory_space<hbm>>
        tpu.enqueue_dma source(%dma_start3A_233 : memref<2000xi32, #tpu.memory_space<hbm>>) target(%arg11 : memref<2000xi32, #tpu.memory_space<vmem>>) target_semaphore(%arg15 : memref<!tpu.dma_semaphore, #tpu.memory_space<semaphore_mem>>)
        %mul3A_234 = arith.constant 100000 : i32
        %mul3A_235 = arith.muli %arg1, %mul3A_234 : i32
        %mul3A_236 = arith.constant 2000 : i32
        %mul3A_237 = arith.muli %add3A_226, %mul3A_236 : i32
        %add3A_238 = arith.addi %mul3A_235, %mul3A_237 : i32
        %dma_start3A_239 = tpu.memref_slice %arg4[%add3A_238] : memref<1600000xi32, #tpu.memory_space<hbm>> -> memref<2000xi32, #tpu.memory_space<hbm>>
        %dma_start3A_240 = tpu.memref_slice %arg4[%add3A_238] : memref<1600000xi32, #tpu.memory_space<hbm>> -> memref<2000xi32, #tpu.memory_space<hbm>>
        tpu.enqueue_dma source(%dma_start3A_240 : memref<2000xi32, #tpu.memory_space<hbm>>) target(%arg13 : memref<2000xi32, #tpu.memory_space<vmem>>) target_semaphore(%arg15 : memref<!tpu.dma_semaphore, #tpu.memory_space<semaphore_mem>>)
      } else {
      }
    }
    %scan3A_36 = arith.constant 25 : i32
    %mul3A_37 = arith.constant 3 : i32
    %mul3A_38 = arith.muli %arg0, %mul3A_37 : i32
    %add3A_39 = arith.constant 0 : i32
    %add3A_40 = arith.addi %mul3A_38, %add3A_39 : i32
    %mul3A_41 = arith.constant 16 : i32
    %mul3A_42 = arith.muli %add3A_40, %mul3A_41 : i32
    %add3A_43 = arith.addi %mul3A_42, %arg1 : i32
    %mul3A_44 = arith.constant 50000 : i32
    %mul3A_45 = arith.muli %add3A_43, %mul3A_44 : i32
    %dma_start3A_46 = tpu.memref_slice %arg6[%mul3A_45] : memref<4800000xf32, #tpu.memory_space<hbm>> -> memref<50000xf32, #tpu.memory_space<hbm>>
    %dma_start3A_47 = tpu.memref_slice %arg6[%mul3A_45] : memref<4800000xf32, #tpu.memory_space<hbm>> -> memref<50000xf32, #tpu.memory_space<hbm>>
    tpu.enqueue_dma source(%arg8 : memref<50000xf32, #tpu.memory_space<vmem>>) target(%dma_start3A_47 : memref<50000xf32, #tpu.memory_space<hbm>>) target_semaphore(%arg16 : memref<!tpu.dma_semaphore, #tpu.memory_space<semaphore_mem>>)
    %mul3A_48 = arith.constant 3 : i32
    %mul3A_49 = arith.muli %arg0, %mul3A_48 : i32
    %add3A_50 = arith.constant 1 : i32
    %add3A_51 = arith.addi %mul3A_49, %add3A_50 : i32
    %mul3A_52 = arith.constant 16 : i32
    %mul3A_53 = arith.muli %add3A_51, %mul3A_52 : i32
    %add3A_54 = arith.addi %mul3A_53, %arg1 : i32
    %mul3A_55 = arith.constant 512 : i32
    %mul3A_56 = arith.muli %add3A_54, %mul3A_55 : i32
    "tpu.region"() ({
      %run_scoped3A = tpu.sem_alloc : memref<!tpu.dma_semaphore, #tpu.memory_space<semaphore_mem>>
      %dma_start3A_181 = tpu.memref_slice %arg5[%mul3A_56] : memref<49152xf32, #tpu.memory_space<hbm>> -> memref<512xf32, #tpu.memory_space<hbm>>
      %dma_start3A_182 = tpu.memref_slice %arg5[%mul3A_56] : memref<49152xf32, #tpu.memory_space<hbm>> -> memref<512xf32, #tpu.memory_space<hbm>>
      tpu.enqueue_dma source(%dma_start3A_182 : memref<512xf32, #tpu.memory_space<hbm>>) target(%arg9 : memref<512xf32, #tpu.memory_space<vmem>>) target_semaphore(%run_scoped3A : memref<!tpu.dma_semaphore, #tpu.memory_space<semaphore_mem>>)
      %dma_wait3A_183 = tpu.memref_slice %arg5[%mul3A_56] : memref<49152xf32, #tpu.memory_space<hbm>> -> memref<512xf32, #tpu.memory_space<hbm>>
      %dma_wait3A_184 = tpu.memref_slice %arg5[%mul3A_56] : memref<49152xf32, #tpu.memory_space<hbm>> -> memref<512xf32, #tpu.memory_space<hbm>>
      tpu.wait_dma2 semaphore(%run_scoped3A : memref<!tpu.dma_semaphore, #tpu.memory_space<semaphore_mem>>) src(%dma_wait3A_184 : memref<512xf32, #tpu.memory_space<hbm>>) dst(%arg9 : memref<512xf32, #tpu.memory_space<vmem>>)
      tpu.yield
    }) : () -> ()
    %mul3A_57 = arith.constant 100000 : i32
    %mul3A_58 = arith.muli %arg1, %mul3A_57 : i32
    %add3A_59 = arith.constant 0 : i32
    %add3A_60 = arith.addi %mul3A_58, %add3A_59 : i32
    %dma_start3A_61 = tpu.memref_slice %arg3[%add3A_60] : memref<1600000xi32, #tpu.memory_space<hbm>> -> memref<2000xi32, #tpu.memory_space<hbm>>
    %dma_start3A_62 = tpu.memref_slice %arg3[%add3A_60] : memref<1600000xi32, #tpu.memory_space<hbm>> -> memref<2000xi32, #tpu.memory_space<hbm>>
    tpu.enqueue_dma source(%dma_start3A_62 : memref<2000xi32, #tpu.memory_space<hbm>>) target(%arg10 : memref<2000xi32, #tpu.memory_space<vmem>>) target_semaphore(%arg14 : memref<!tpu.dma_semaphore, #tpu.memory_space<semaphore_mem>>)
    %mul3A_63 = arith.constant 100000 : i32
    %mul3A_64 = arith.muli %arg1, %mul3A_63 : i32
    %add3A_65 = arith.constant 0 : i32
    %add3A_66 = arith.addi %mul3A_64, %add3A_65 : i32
    %dma_start3A_67 = tpu.memref_slice %arg4[%add3A_66] : memref<1600000xi32, #tpu.memory_space<hbm>> -> memref<2000xi32, #tpu.memory_space<hbm>>
    %dma_start3A_68 = tpu.memref_slice %arg4[%add3A_66] : memref<1600000xi32, #tpu.memory_space<hbm>> -> memref<2000xi32, #tpu.memory_space<hbm>>
    tpu.enqueue_dma source(%dma_start3A_68 : memref<2000xi32, #tpu.memory_space<hbm>>) target(%arg12 : memref<2000xi32, #tpu.memory_space<vmem>>) target_semaphore(%arg14 : memref<!tpu.dma_semaphore, #tpu.memory_space<semaphore_mem>>)
    %mul3A_69 = arith.constant 100000 : i32
    %mul3A_70 = arith.muli %arg1, %mul3A_69 : i32
    %add3A_71 = arith.constant 2000 : i32
    %add3A_72 = arith.addi %mul3A_70, %add3A_71 : i32
    %dma_start3A_73 = tpu.memref_slice %arg3[%add3A_72] : memref<1600000xi32, #tpu.memory_space<hbm>> -> memref<2000xi32, #tpu.memory_space<hbm>>
    %dma_start3A_74 = tpu.memref_slice %arg3[%add3A_72] : memref<1600000xi32, #tpu.memory_space<hbm>> -> memref<2000xi32, #tpu.memory_space<hbm>>
    tpu.enqueue_dma source(%dma_start3A_74 : memref<2000xi32, #tpu.memory_space<hbm>>) target(%arg11 : memref<2000xi32, #tpu.memory_space<vmem>>) target_semaphore(%arg15 : memref<!tpu.dma_semaphore, #tpu.memory_space<semaphore_mem>>)
    %mul3A_75 = arith.constant 100000 : i32
    %mul3A_76 = arith.muli %arg1, %mul3A_75 : i32
    %add3A_77 = arith.constant 2000 : i32
    %add3A_78 = arith.addi %mul3A_76, %add3A_77 : i32
    %dma_start3A_79 = tpu.memref_slice %arg4[%add3A_78] : memref<1600000xi32, #tpu.memory_space<hbm>> -> memref<2000xi32, #tpu.memory_space<hbm>>
    %dma_start3A_80 = tpu.memref_slice %arg4[%add3A_78] : memref<1600000xi32, #tpu.memory_space<hbm>> -> memref<2000xi32, #tpu.memory_space<hbm>>
    tpu.enqueue_dma source(%dma_start3A_80 : memref<2000xi32, #tpu.memory_space<hbm>>) target(%arg13 : memref<2000xi32, #tpu.memory_space<vmem>>) target_semaphore(%arg15 : memref<!tpu.dma_semaphore, #tpu.memory_space<semaphore_mem>>)
    %scan3A_81 = arith.constant 0 : i32
    %scan3A_82 = arith.constant 0 : i32
    %scan3A_83 = arith.constant 25 : i32
    %scan3A_84 = arith.addi %scan3A_82, %scan3A_83 : i32
    %scan3A_85 = arith.constant 1 : i32
    scf.for %scan3A_181 = %scan3A_82 to %scan3A_84 step %scan3A_85  : i32 {
      %mul3A_182 = arith.constant 2 : i32
      %mul3A_183 = arith.muli %mul3A_182, %scan3A_181 : i32
      %add3A_184 = arith.constant 0 : i32
      %add3A_185 = arith.addi %mul3A_183, %add3A_184 : i32
      %mul3A_186 = arith.constant 100000 : i32
      %mul3A_187 = arith.muli %arg1, %mul3A_186 : i32
      %mul3A_188 = arith.constant 2000 : i32
      %mul3A_189 = arith.muli %add3A_185, %mul3A_188 : i32
      %add3A_190 = arith.addi %mul3A_187, %mul3A_189 : i32
      %dma_wait3A_191 = tpu.memref_slice %arg3[%add3A_190] : memref<1600000xi32, #tpu.memory_space<hbm>> -> memref<2000xi32, #tpu.memory_space<hbm>>
      %dma_wait3A_192 = tpu.memref_slice %arg3[%add3A_190] : memref<1600000xi32, #tpu.memory_space<hbm>> -> memref<2000xi32, #tpu.memory_space<hbm>>
      tpu.wait_dma2 semaphore(%arg14 : memref<!tpu.dma_semaphore, #tpu.memory_space<semaphore_mem>>) src(%dma_wait3A_192 : memref<2000xi32, #tpu.memory_space<hbm>>) dst(%arg10 : memref<2000xi32, #tpu.memory_space<vmem>>)
      %mul3A_193 = arith.constant 100000 : i32
      %mul3A_194 = arith.muli %arg1, %mul3A_193 : i32
      %mul3A_195 = arith.constant 2000 : i32
      %mul3A_196 = arith.muli %add3A_185, %mul3A_195 : i32
      %add3A_197 = arith.addi %mul3A_194, %mul3A_196 : i32
      %dma_wait3A_198 = tpu.memref_slice %arg4[%add3A_197] : memref<1600000xi32, #tpu.memory_space<hbm>> -> memref<2000xi32, #tpu.memory_space<hbm>>
      %dma_wait3A_199 = tpu.memref_slice %arg4[%add3A_197] : memref<1600000xi32, #tpu.memory_space<hbm>> -> memref<2000xi32, #tpu.memory_space<hbm>>
      tpu.wait_dma2 semaphore(%arg14 : memref<!tpu.dma_semaphore, #tpu.memory_space<semaphore_mem>>) src(%dma_wait3A_199 : memref<2000xi32, #tpu.memory_space<hbm>>) dst(%arg12 : memref<2000xi32, #tpu.memory_space<vmem>>)
      %lt3A = arith.constant 24 : i32
      %lt3A_200 = arith.cmpi slt, %scan3A_181, %lt3A : i32
      %convert_element_type3A = arith.extui %lt3A_200 : i1 to i32
      %cond3A = arith.constant 0 : i32
      %cond3A_201 = arith.cmpi ne, %convert_element_type3A, %cond3A : i32
      scf.if %cond3A_201 {
        %add3A_225 = arith.constant 2 : i32
        %add3A_226 = arith.addi %add3A_185, %add3A_225 : i32
        %mul3A_227 = arith.constant 100000 : i32
        %mul3A_228 = arith.muli %arg1, %mul3A_227 : i32
        %mul3A_229 = arith.constant 2000 : i32
        %mul3A_230 = arith.muli %add3A_226, %mul3A_229 : i32
        %add3A_231 = arith.addi %mul3A_228, %mul3A_230 : i32
        %dma_start3A_232 = tpu.memref_slice %arg3[%add3A_231] : memref<1600000xi32, #tpu.memory_space<hbm>> -> memref<2000xi32, #tpu.memory_space<hbm>>
        %dma_start3A_233 = tpu.memref_slice %arg3[%add3A_231] : memref<1600000xi32, #tpu.memory_space<hbm>> -> memref<2000xi32, #tpu.memory_space<hbm>>
        tpu.enqueue_dma source(%dma_start3A_233 : memref<2000xi32, #tpu.memory_space<hbm>>) target(%arg10 : memref<2000xi32, #tpu.memory_space<vmem>>) target_semaphore(%arg14 : memref<!tpu.dma_semaphore, #tpu.memory_space<semaphore_mem>>)
        %mul3A_234 = arith.constant 100000 : i32
        %mul3A_235 = arith.muli %arg1, %mul3A_234 : i32
        %mul3A_236 = arith.constant 2000 : i32
        %mul3A_237 = arith.muli %add3A_226, %mul3A_236 : i32
        %add3A_238 = arith.addi %mul3A_235, %mul3A_237 : i32
        %dma_start3A_239 = tpu.memref_slice %arg4[%add3A_238] : memref<1600000xi32, #tpu.memory_space<hbm>> -> memref<2000xi32, #tpu.memory_space<hbm>>
        %dma_start3A_240 = tpu.memref_slice %arg4[%add3A_238] : memref<1600000xi32, #tpu.memory_space<hbm>> -> memref<2000xi32, #tpu.memory_space<hbm>>
        tpu.enqueue_dma source(%dma_start3A_240 : memref<2000xi32, #tpu.memory_space<hbm>>) target(%arg12 : memref<2000xi32, #tpu.memory_space<vmem>>) target_semaphore(%arg14 : memref<!tpu.dma_semaphore, #tpu.memory_space<semaphore_mem>>)
      } else {
      }
      %mul3A_202 = arith.constant 2 : i32
      %mul3A_203 = arith.muli %mul3A_202, %scan3A_181 : i32
      %add3A_204 = arith.constant 1 : i32
      %add3A_205 = arith.addi %mul3A_203, %add3A_204 : i32
      %mul3A_206 = arith.constant 100000 : i32
      %mul3A_207 = arith.muli %arg1, %mul3A_206 : i32
      %mul3A_208 = arith.constant 2000 : i32
      %mul3A_209 = arith.muli %add3A_205, %mul3A_208 : i32
      %add3A_210 = arith.addi %mul3A_207, %mul3A_209 : i32
      %dma_wait3A_211 = tpu.memref_slice %arg3[%add3A_210] : memref<1600000xi32, #tpu.memory_space<hbm>> -> memref<2000xi32, #tpu.memory_space<hbm>>
      %dma_wait3A_212 = tpu.memref_slice %arg3[%add3A_210] : memref<1600000xi32, #tpu.memory_space<hbm>> -> memref<2000xi32, #tpu.memory_space<hbm>>
      tpu.wait_dma2 semaphore(%arg15 : memref<!tpu.dma_semaphore, #tpu.memory_space<semaphore_mem>>) src(%dma_wait3A_212 : memref<2000xi32, #tpu.memory_space<hbm>>) dst(%arg11 : memref<2000xi32, #tpu.memory_space<vmem>>)
      %mul3A_213 = arith.constant 100000 : i32
      %mul3A_214 = arith.muli %arg1, %mul3A_213 : i32
      %mul3A_215 = arith.constant 2000 : i32
      %mul3A_216 = arith.muli %add3A_205, %mul3A_215 : i32
      %add3A_217 = arith.addi %mul3A_214, %mul3A_216 : i32
      %dma_wait3A_218 = tpu.memref_slice %arg4[%add3A_217] : memref<1600000xi32, #tpu.memory_space<hbm>> -> memref<2000xi32, #tpu.memory_space<hbm>>
      %dma_wait3A_219 = tpu.memref_slice %arg4[%add3A_217] : memref<1600000xi32, #tpu.memory_space<hbm>> -> memref<2000xi32, #tpu.memory_space<hbm>>
      tpu.wait_dma2 semaphore(%arg15 : memref<!tpu.dma_semaphore, #tpu.memory_space<semaphore_mem>>) src(%dma_wait3A_219 : memref<2000xi32, #tpu.memory_space<hbm>>) dst(%arg13 : memref<2000xi32, #tpu.memory_space<vmem>>)
      %lt3A_220 = arith.constant 24 : i32
      %lt3A_221 = arith.cmpi slt, %scan3A_181, %lt3A_220 : i32
      %convert_element_type3A_222 = arith.extui %lt3A_221 : i1 to i32
      %cond3A_223 = arith.constant 0 : i32
      %cond3A_224 = arith.cmpi ne, %convert_element_type3A_222, %cond3A_223 : i32
      scf.if %cond3A_224 {
        %add3A_225 = arith.constant 2 : i32
        %add3A_226 = arith.addi %add3A_205, %add3A_225 : i32
        %mul3A_227 = arith.constant 100000 : i32
        %mul3A_228 = arith.muli %arg1, %mul3A_227 : i32
        %mul3A_229 = arith.constant 2000 : i32
        %mul3A_230 = arith.muli %add3A_226, %mul3A_229 : i32
        %add3A_231 = arith.addi %mul3A_228, %mul3A_230 : i32
        %dma_start3A_232 = tpu.memref_slice %arg3[%add3A_231] : memref<1600000xi32, #tpu.memory_space<hbm>> -> memref<2000xi32, #tpu.memory_space<hbm>>
        %dma_start3A_233 = tpu.memref_slice %arg3[%add3A_231] : memref<1600000xi32, #tpu.memory_space<hbm>> -> memref<2000xi32, #tpu.memory_space<hbm>>
        tpu.enqueue_dma source(%dma_start3A_233 : memref<2000xi32, #tpu.memory_space<hbm>>) target(%arg11 : memref<2000xi32, #tpu.memory_space<vmem>>) target_semaphore(%arg15 : memref<!tpu.dma_semaphore, #tpu.memory_space<semaphore_mem>>)
        %mul3A_234 = arith.constant 100000 : i32
        %mul3A_235 = arith.muli %arg1, %mul3A_234 : i32
        %mul3A_236 = arith.constant 2000 : i32
        %mul3A_237 = arith.muli %add3A_226, %mul3A_236 : i32
        %add3A_238 = arith.addi %mul3A_235, %mul3A_237 : i32
        %dma_start3A_239 = tpu.memref_slice %arg4[%add3A_238] : memref<1600000xi32, #tpu.memory_space<hbm>> -> memref<2000xi32, #tpu.memory_space<hbm>>
        %dma_start3A_240 = tpu.memref_slice %arg4[%add3A_238] : memref<1600000xi32, #tpu.memory_space<hbm>> -> memref<2000xi32, #tpu.memory_space<hbm>>
        tpu.enqueue_dma source(%dma_start3A_240 : memref<2000xi32, #tpu.memory_space<hbm>>) target(%arg13 : memref<2000xi32, #tpu.memory_space<vmem>>) target_semaphore(%arg15 : memref<!tpu.dma_semaphore, #tpu.memory_space<semaphore_mem>>)
      } else {
      }
    }
    %scan3A_86 = arith.constant 25 : i32
    %mul3A_87 = arith.constant 3 : i32
    %mul3A_88 = arith.muli %arg0, %mul3A_87 : i32
    %add3A_89 = arith.constant 1 : i32
    %add3A_90 = arith.addi %mul3A_88, %add3A_89 : i32
    %mul3A_91 = arith.constant 16 : i32
    %mul3A_92 = arith.muli %add3A_90, %mul3A_91 : i32
    %add3A_93 = arith.addi %mul3A_92, %arg1 : i32
    %mul3A_94 = arith.constant 50000 : i32
    %mul3A_95 = arith.muli %add3A_93, %mul3A_94 : i32
    %dma_start3A_96 = tpu.memref_slice %arg6[%mul3A_95] : memref<4800000xf32, #tpu.memory_space<hbm>> -> memref<50000xf32, #tpu.memory_space<hbm>>
    %dma_start3A_97 = tpu.memref_slice %arg6[%mul3A_95] : memref<4800000xf32, #tpu.memory_space<hbm>> -> memref<50000xf32, #tpu.memory_space<hbm>>
    tpu.enqueue_dma source(%arg7 : memref<50000xf32, #tpu.memory_space<vmem>>) target(%dma_start3A_97 : memref<50000xf32, #tpu.memory_space<hbm>>) target_semaphore(%arg16 : memref<!tpu.dma_semaphore, #tpu.memory_space<semaphore_mem>>)
    %mul3A_98 = arith.constant 3 : i32
    %mul3A_99 = arith.muli %arg0, %mul3A_98 : i32
    %add3A_100 = arith.constant 2 : i32
    %add3A_101 = arith.addi %mul3A_99, %add3A_100 : i32
    %mul3A_102 = arith.constant 16 : i32
    %mul3A_103 = arith.muli %add3A_101, %mul3A_102 : i32
    %add3A_104 = arith.addi %mul3A_103, %arg1 : i32
    %mul3A_105 = arith.constant 512 : i32
    %mul3A_106 = arith.muli %add3A_104, %mul3A_105 : i32
    "tpu.region"() ({
      %run_scoped3A = tpu.sem_alloc : memref<!tpu.dma_semaphore, #tpu.memory_space<semaphore_mem>>
      %dma_start3A_181 = tpu.memref_slice %arg5[%mul3A_106] : memref<49152xf32, #tpu.memory_space<hbm>> -> memref<512xf32, #tpu.memory_space<hbm>>
      %dma_start3A_182 = tpu.memref_slice %arg5[%mul3A_106] : memref<49152xf32, #tpu.memory_space<hbm>> -> memref<512xf32, #tpu.memory_space<hbm>>
      tpu.enqueue_dma source(%dma_start3A_182 : memref<512xf32, #tpu.memory_space<hbm>>) target(%arg9 : memref<512xf32, #tpu.memory_space<vmem>>) target_semaphore(%run_scoped3A : memref<!tpu.dma_semaphore, #tpu.memory_space<semaphore_mem>>)
      %dma_wait3A_183 = tpu.memref_slice %arg5[%mul3A_106] : memref<49152xf32, #tpu.memory_space<hbm>> -> memref<512xf32, #tpu.memory_space<hbm>>
      %dma_wait3A_184 = tpu.memref_slice %arg5[%mul3A_106] : memref<49152xf32, #tpu.memory_space<hbm>> -> memref<512xf32, #tpu.memory_space<hbm>>
      tpu.wait_dma2 semaphore(%run_scoped3A : memref<!tpu.dma_semaphore, #tpu.memory_space<semaphore_mem>>) src(%dma_wait3A_184 : memref<512xf32, #tpu.memory_space<hbm>>) dst(%arg9 : memref<512xf32, #tpu.memory_space<vmem>>)
      tpu.yield
    }) : () -> ()
    %mul3A_107 = arith.constant 3 : i32
    %mul3A_108 = arith.muli %arg0, %mul3A_107 : i32
    %add3A_109 = arith.constant 2 : i32
    %add3A_110 = arith.addi %mul3A_108, %add3A_109 : i32
    %sub3A = arith.constant 2 : i32
    %sub3A_111 = arith.subi %add3A_110, %sub3A : i32
    %mul3A_112 = arith.constant 16 : i32
    %mul3A_113 = arith.muli %sub3A_111, %mul3A_112 : i32
    %add3A_114 = arith.addi %mul3A_113, %arg1 : i32
    %mul3A_115 = arith.constant 50000 : i32
    %mul3A_116 = arith.muli %add3A_114, %mul3A_115 : i32
    %dma_wait3A = tpu.memref_slice %arg6[%mul3A_116] : memref<4800000xf32, #tpu.memory_space<hbm>> -> memref<50000xf32, #tpu.memory_space<hbm>>
    %dma_wait3A_117 = tpu.memref_slice %arg6[%mul3A_116] : memref<4800000xf32, #tpu.memory_space<hbm>> -> memref<50000xf32, #tpu.memory_space<hbm>>
    tpu.wait_dma2 semaphore(%arg16 : memref<!tpu.dma_semaphore, #tpu.memory_space<semaphore_mem>>) src(%arg8 : memref<50000xf32, #tpu.memory_space<vmem>>) dst(%dma_wait3A_117 : memref<50000xf32, #tpu.memory_space<hbm>>)
    %mul3A_118 = arith.constant 100000 : i32
    %mul3A_119 = arith.muli %arg1, %mul3A_118 : i32
    %add3A_120 = arith.constant 0 : i32
    %add3A_121 = arith.addi %mul3A_119, %add3A_120 : i32
    %dma_start3A_122 = tpu.memref_slice %arg3[%add3A_121] : memref<1600000xi32, #tpu.memory_space<hbm>> -> memref<2000xi32, #tpu.memory_space<hbm>>
    %dma_start3A_123 = tpu.memref_slice %arg3[%add3A_121] : memref<1600000xi32, #tpu.memory_space<hbm>> -> memref<2000xi32, #tpu.memory_space<hbm>>
    tpu.enqueue_dma source(%dma_start3A_123 : memref<2000xi32, #tpu.memory_space<hbm>>) target(%arg10 : memref<2000xi32, #tpu.memory_space<vmem>>) target_semaphore(%arg14 : memref<!tpu.dma_semaphore, #tpu.memory_space<semaphore_mem>>)
    %mul3A_124 = arith.constant 100000 : i32
    %mul3A_125 = arith.muli %arg1, %mul3A_124 : i32
    %add3A_126 = arith.constant 0 : i32
    %add3A_127 = arith.addi %mul3A_125, %add3A_126 : i32
    %dma_start3A_128 = tpu.memref_slice %arg4[%add3A_127] : memref<1600000xi32, #tpu.memory_space<hbm>> -> memref<2000xi32, #tpu.memory_space<hbm>>
    %dma_start3A_129 = tpu.memref_slice %arg4[%add3A_127] : memref<1600000xi32, #tpu.memory_space<hbm>> -> memref<2000xi32, #tpu.memory_space<hbm>>
    tpu.enqueue_dma source(%dma_start3A_129 : memref<2000xi32, #tpu.memory_space<hbm>>) target(%arg12 : memref<2000xi32, #tpu.memory_space<vmem>>) target_semaphore(%arg14 : memref<!tpu.dma_semaphore, #tpu.memory_space<semaphore_mem>>)
    %mul3A_130 = arith.constant 100000 : i32
    %mul3A_131 = arith.muli %arg1, %mul3A_130 : i32
    %add3A_132 = arith.constant 2000 : i32
    %add3A_133 = arith.addi %mul3A_131, %add3A_132 : i32
    %dma_start3A_134 = tpu.memref_slice %arg3[%add3A_133] : memref<1600000xi32, #tpu.memory_space<hbm>> -> memref<2000xi32, #tpu.memory_space<hbm>>
    %dma_start3A_135 = tpu.memref_slice %arg3[%add3A_133] : memref<1600000xi32, #tpu.memory_space<hbm>> -> memref<2000xi32, #tpu.memory_space<hbm>>
    tpu.enqueue_dma source(%dma_start3A_135 : memref<2000xi32, #tpu.memory_space<hbm>>) target(%arg11 : memref<2000xi32, #tpu.memory_space<vmem>>) target_semaphore(%arg15 : memref<!tpu.dma_semaphore, #tpu.memory_space<semaphore_mem>>)
    %mul3A_136 = arith.constant 100000 : i32
    %mul3A_137 = arith.muli %arg1, %mul3A_136 : i32
    %add3A_138 = arith.constant 2000 : i32
    %add3A_139 = arith.addi %mul3A_137, %add3A_138 : i32
    %dma_start3A_140 = tpu.memref_slice %arg4[%add3A_139] : memref<1600000xi32, #tpu.memory_space<hbm>> -> memref<2000xi32, #tpu.memory_space<hbm>>
    %dma_start3A_141 = tpu.memref_slice %arg4[%add3A_139] : memref<1600000xi32, #tpu.memory_space<hbm>> -> memref<2000xi32, #tpu.memory_space<hbm>>
    tpu.enqueue_dma source(%dma_start3A_141 : memref<2000xi32, #tpu.memory_space<hbm>>) target(%arg13 : memref<2000xi32, #tpu.memory_space<vmem>>) target_semaphore(%arg15 : memref<!tpu.dma_semaphore, #tpu.memory_space<semaphore_mem>>)
    %scan3A_142 = arith.constant 0 : i32
    %scan3A_143 = arith.constant 0 : i32
    %scan3A_144 = arith.constant 25 : i32
    %scan3A_145 = arith.addi %scan3A_143, %scan3A_144 : i32
    %scan3A_146 = arith.constant 1 : i32
    scf.for %scan3A_181 = %scan3A_143 to %scan3A_145 step %scan3A_146  : i32 {
      %mul3A_182 = arith.constant 2 : i32
      %mul3A_183 = arith.muli %mul3A_182, %scan3A_181 : i32
      %add3A_184 = arith.constant 0 : i32
      %add3A_185 = arith.addi %mul3A_183, %add3A_184 : i32
      %mul3A_186 = arith.constant 100000 : i32
      %mul3A_187 = arith.muli %arg1, %mul3A_186 : i32
      %mul3A_188 = arith.constant 2000 : i32
      %mul3A_189 = arith.muli %add3A_185, %mul3A_188 : i32
      %add3A_190 = arith.addi %mul3A_187, %mul3A_189 : i32
      %dma_wait3A_191 = tpu.memref_slice %arg3[%add3A_190] : memref<1600000xi32, #tpu.memory_space<hbm>> -> memref<2000xi32, #tpu.memory_space<hbm>>
      %dma_wait3A_192 = tpu.memref_slice %arg3[%add3A_190] : memref<1600000xi32, #tpu.memory_space<hbm>> -> memref<2000xi32, #tpu.memory_space<hbm>>
      tpu.wait_dma2 semaphore(%arg14 : memref<!tpu.dma_semaphore, #tpu.memory_space<semaphore_mem>>) src(%dma_wait3A_192 : memref<2000xi32, #tpu.memory_space<hbm>>) dst(%arg10 : memref<2000xi32, #tpu.memory_space<vmem>>)
      %mul3A_193 = arith.constant 100000 : i32
      %mul3A_194 = arith.muli %arg1, %mul3A_193 : i32
      %mul3A_195 = arith.constant 2000 : i32
      %mul3A_196 = arith.muli %add3A_185, %mul3A_195 : i32
      %add3A_197 = arith.addi %mul3A_194, %mul3A_196 : i32
      %dma_wait3A_198 = tpu.memref_slice %arg4[%add3A_197] : memref<1600000xi32, #tpu.memory_space<hbm>> -> memref<2000xi32, #tpu.memory_space<hbm>>
      %dma_wait3A_199 = tpu.memref_slice %arg4[%add3A_197] : memref<1600000xi32, #tpu.memory_space<hbm>> -> memref<2000xi32, #tpu.memory_space<hbm>>
      tpu.wait_dma2 semaphore(%arg14 : memref<!tpu.dma_semaphore, #tpu.memory_space<semaphore_mem>>) src(%dma_wait3A_199 : memref<2000xi32, #tpu.memory_space<hbm>>) dst(%arg12 : memref<2000xi32, #tpu.memory_space<vmem>>)
      %lt3A = arith.constant 24 : i32
      %lt3A_200 = arith.cmpi slt, %scan3A_181, %lt3A : i32
      %convert_element_type3A = arith.extui %lt3A_200 : i1 to i32
      %cond3A = arith.constant 0 : i32
      %cond3A_201 = arith.cmpi ne, %convert_element_type3A, %cond3A : i32
      scf.if %cond3A_201 {
        %add3A_225 = arith.constant 2 : i32
        %add3A_226 = arith.addi %add3A_185, %add3A_225 : i32
        %mul3A_227 = arith.constant 100000 : i32
        %mul3A_228 = arith.muli %arg1, %mul3A_227 : i32
        %mul3A_229 = arith.constant 2000 : i32
        %mul3A_230 = arith.muli %add3A_226, %mul3A_229 : i32
        %add3A_231 = arith.addi %mul3A_228, %mul3A_230 : i32
        %dma_start3A_232 = tpu.memref_slice %arg3[%add3A_231] : memref<1600000xi32, #tpu.memory_space<hbm>> -> memref<2000xi32, #tpu.memory_space<hbm>>
        %dma_start3A_233 = tpu.memref_slice %arg3[%add3A_231] : memref<1600000xi32, #tpu.memory_space<hbm>> -> memref<2000xi32, #tpu.memory_space<hbm>>
        tpu.enqueue_dma source(%dma_start3A_233 : memref<2000xi32, #tpu.memory_space<hbm>>) target(%arg10 : memref<2000xi32, #tpu.memory_space<vmem>>) target_semaphore(%arg14 : memref<!tpu.dma_semaphore, #tpu.memory_space<semaphore_mem>>)
        %mul3A_234 = arith.constant 100000 : i32
        %mul3A_235 = arith.muli %arg1, %mul3A_234 : i32
        %mul3A_236 = arith.constant 2000 : i32
        %mul3A_237 = arith.muli %add3A_226, %mul3A_236 : i32
        %add3A_238 = arith.addi %mul3A_235, %mul3A_237 : i32
        %dma_start3A_239 = tpu.memref_slice %arg4[%add3A_238] : memref<1600000xi32, #tpu.memory_space<hbm>> -> memref<2000xi32, #tpu.memory_space<hbm>>
        %dma_start3A_240 = tpu.memref_slice %arg4[%add3A_238] : memref<1600000xi32, #tpu.memory_space<hbm>> -> memref<2000xi32, #tpu.memory_space<hbm>>
        tpu.enqueue_dma source(%dma_start3A_240 : memref<2000xi32, #tpu.memory_space<hbm>>) target(%arg12 : memref<2000xi32, #tpu.memory_space<vmem>>) target_semaphore(%arg14 : memref<!tpu.dma_semaphore, #tpu.memory_space<semaphore_mem>>)
      } else {
      }
      %mul3A_202 = arith.constant 2 : i32
      %mul3A_203 = arith.muli %mul3A_202, %scan3A_181 : i32
      %add3A_204 = arith.constant 1 : i32
      %add3A_205 = arith.addi %mul3A_203, %add3A_204 : i32
      %mul3A_206 = arith.constant 100000 : i32
      %mul3A_207 = arith.muli %arg1, %mul3A_206 : i32
      %mul3A_208 = arith.constant 2000 : i32
      %mul3A_209 = arith.muli %add3A_205, %mul3A_208 : i32
      %add3A_210 = arith.addi %mul3A_207, %mul3A_209 : i32
      %dma_wait3A_211 = tpu.memref_slice %arg3[%add3A_210] : memref<1600000xi32, #tpu.memory_space<hbm>> -> memref<2000xi32, #tpu.memory_space<hbm>>
      %dma_wait3A_212 = tpu.memref_slice %arg3[%add3A_210] : memref<1600000xi32, #tpu.memory_space<hbm>> -> memref<2000xi32, #tpu.memory_space<hbm>>
      tpu.wait_dma2 semaphore(%arg15 : memref<!tpu.dma_semaphore, #tpu.memory_space<semaphore_mem>>) src(%dma_wait3A_212 : memref<2000xi32, #tpu.memory_space<hbm>>) dst(%arg11 : memref<2000xi32, #tpu.memory_space<vmem>>)
      %mul3A_213 = arith.constant 100000 : i32
      %mul3A_214 = arith.muli %arg1, %mul3A_213 : i32
      %mul3A_215 = arith.constant 2000 : i32
      %mul3A_216 = arith.muli %add3A_205, %mul3A_215 : i32
      %add3A_217 = arith.addi %mul3A_214, %mul3A_216 : i32
      %dma_wait3A_218 = tpu.memref_slice %arg4[%add3A_217] : memref<1600000xi32, #tpu.memory_space<hbm>> -> memref<2000xi32, #tpu.memory_space<hbm>>
      %dma_wait3A_219 = tpu.memref_slice %arg4[%add3A_217] : memref<1600000xi32, #tpu.memory_space<hbm>> -> memref<2000xi32, #tpu.memory_space<hbm>>
      tpu.wait_dma2 semaphore(%arg15 : memref<!tpu.dma_semaphore, #tpu.memory_space<semaphore_mem>>) src(%dma_wait3A_219 : memref<2000xi32, #tpu.memory_space<hbm>>) dst(%arg13 : memref<2000xi32, #tpu.memory_space<vmem>>)
      %lt3A_220 = arith.constant 24 : i32
      %lt3A_221 = arith.cmpi slt, %scan3A_181, %lt3A_220 : i32
      %convert_element_type3A_222 = arith.extui %lt3A_221 : i1 to i32
      %cond3A_223 = arith.constant 0 : i32
      %cond3A_224 = arith.cmpi ne, %convert_element_type3A_222, %cond3A_223 : i32
      scf.if %cond3A_224 {
        %add3A_225 = arith.constant 2 : i32
        %add3A_226 = arith.addi %add3A_205, %add3A_225 : i32
        %mul3A_227 = arith.constant 100000 : i32
        %mul3A_228 = arith.muli %arg1, %mul3A_227 : i32
        %mul3A_229 = arith.constant 2000 : i32
        %mul3A_230 = arith.muli %add3A_226, %mul3A_229 : i32
        %add3A_231 = arith.addi %mul3A_228, %mul3A_230 : i32
        %dma_start3A_232 = tpu.memref_slice %arg3[%add3A_231] : memref<1600000xi32, #tpu.memory_space<hbm>> -> memref<2000xi32, #tpu.memory_space<hbm>>
        %dma_start3A_233 = tpu.memref_slice %arg3[%add3A_231] : memref<1600000xi32, #tpu.memory_space<hbm>> -> memref<2000xi32, #tpu.memory_space<hbm>>
        tpu.enqueue_dma source(%dma_start3A_233 : memref<2000xi32, #tpu.memory_space<hbm>>) target(%arg11 : memref<2000xi32, #tpu.memory_space<vmem>>) target_semaphore(%arg15 : memref<!tpu.dma_semaphore, #tpu.memory_space<semaphore_mem>>)
        %mul3A_234 = arith.constant 100000 : i32
        %mul3A_235 = arith.muli %arg1, %mul3A_234 : i32
        %mul3A_236 = arith.constant 2000 : i32
        %mul3A_237 = arith.muli %add3A_226, %mul3A_236 : i32
        %add3A_238 = arith.addi %mul3A_235, %mul3A_237 : i32
        %dma_start3A_239 = tpu.memref_slice %arg4[%add3A_238] : memref<1600000xi32, #tpu.memory_space<hbm>> -> memref<2000xi32, #tpu.memory_space<hbm>>
        %dma_start3A_240 = tpu.memref_slice %arg4[%add3A_238] : memref<1600000xi32, #tpu.memory_space<hbm>> -> memref<2000xi32, #tpu.memory_space<hbm>>
        tpu.enqueue_dma source(%dma_start3A_240 : memref<2000xi32, #tpu.memory_space<hbm>>) target(%arg13 : memref<2000xi32, #tpu.memory_space<vmem>>) target_semaphore(%arg15 : memref<!tpu.dma_semaphore, #tpu.memory_space<semaphore_mem>>)
      } else {
      }
    }
    %scan3A_147 = arith.constant 25 : i32
    %mul3A_148 = arith.constant 3 : i32
    %mul3A_149 = arith.muli %arg0, %mul3A_148 : i32
    %add3A_150 = arith.constant 2 : i32
    %add3A_151 = arith.addi %mul3A_149, %add3A_150 : i32
    %mul3A_152 = arith.constant 16 : i32
    %mul3A_153 = arith.muli %add3A_151, %mul3A_152 : i32
    %add3A_154 = arith.addi %mul3A_153, %arg1 : i32
    %mul3A_155 = arith.constant 50000 : i32
    %mul3A_156 = arith.muli %add3A_154, %mul3A_155 : i32
    %dma_start3A_157 = tpu.memref_slice %arg6[%mul3A_156] : memref<4800000xf32, #tpu.memory_space<hbm>> -> memref<50000xf32, #tpu.memory_space<hbm>>
    %dma_start3A_158 = tpu.memref_slice %arg6[%mul3A_156] : memref<4800000xf32, #tpu.memory_space<hbm>> -> memref<50000xf32, #tpu.memory_space<hbm>>
    tpu.enqueue_dma source(%arg8 : memref<50000xf32, #tpu.memory_space<vmem>>) target(%dma_start3A_158 : memref<50000xf32, #tpu.memory_space<hbm>>) target_semaphore(%arg16 : memref<!tpu.dma_semaphore, #tpu.memory_space<semaphore_mem>>)
    %mul3A_159 = arith.constant 3 : i32
    %mul3A_160 = arith.muli %arg0, %mul3A_159 : i32
    %add3A_161 = arith.constant 1 : i32
    %add3A_162 = arith.addi %mul3A_160, %add3A_161 : i32
    %mul3A_163 = arith.constant 16 : i32
    %mul3A_164 = arith.muli %add3A_162, %mul3A_163 : i32
    %add3A_165 = arith.addi %mul3A_164, %arg1 : i32
    %mul3A_166 = arith.constant 50000 : i32
    %mul3A_167 = arith.muli %add3A_165, %mul3A_166 : i32
    %dma_wait3A_168 = tpu.memref_slice %arg6[%mul3A_167] : memref<4800000xf32, #tpu.memory_space<hbm>> -> memref<50000xf32, #tpu.memory_space<hbm>>
    %dma_wait3A_169 = tpu.memref_slice %arg6[%mul3A_167] : memref<4800000xf32, #tpu.memory_space<hbm>> -> memref<50000xf32, #tpu.memory_space<hbm>>
    tpu.wait_dma2 semaphore(%arg16 : memref<!tpu.dma_semaphore, #tpu.memory_space<semaphore_mem>>) src(%arg7 : memref<50000xf32, #tpu.memory_space<vmem>>) dst(%dma_wait3A_169 : memref<50000xf32, #tpu.memory_space<hbm>>)
    %mul3A_170 = arith.constant 3 : i32
    %mul3A_171 = arith.muli %arg0, %mul3A_170 : i32
    %add3A_172 = arith.constant 2 : i32
    %add3A_173 = arith.addi %mul3A_171, %add3A_172 : i32
    %mul3A_174 = arith.constant 16 : i32
    %mul3A_175 = arith.muli %add3A_173, %mul3A_174 : i32
    %add3A_176 = arith.addi %mul3A_175, %arg1 : i32
    %mul3A_177 = arith.constant 50000 : i32
    %mul3A_178 = arith.muli %add3A_176, %mul3A_177 : i32
    %dma_wait3A_179 = tpu.memref_slice %arg6[%mul3A_178] : memref<4800000xf32, #tpu.memory_space<hbm>> -> memref<50000xf32, #tpu.memory_space<hbm>>
    %dma_wait3A_180 = tpu.memref_slice %arg6[%mul3A_178] : memref<4800000xf32, #tpu.memory_space<hbm>> -> memref<50000xf32, #tpu.memory_space<hbm>>
    tpu.wait_dma2 semaphore(%arg16 : memref<!tpu.dma_semaphore, #tpu.memory_space<semaphore_mem>>) src(%arg8 : memref<50000xf32, #tpu.memory_space<vmem>>) dst(%dma_wait3A_180 : memref<50000xf32, #tpu.memory_space<hbm>>)
    return
  }
}

module attributes {stable_mosaic.version = 14 : i64} {
  func.func @_dense_body(%arg0: memref<16x768xf32, #tpu.memory_space<vmem>>, %arg1: memref<16x32x768xf32, #tpu.memory_space<vmem>>, %arg2: memref<16x32xf32, #tpu.memory_space<vmem>>, %arg3: memref<2x3x768x768xf32, #tpu.memory_space<vmem>>, %arg4: memref<2x3x768xf32, #tpu.memory_space<vmem>>, %arg5: memref<2x768x512xf32, #tpu.memory_space<vmem>>, %arg6: memref<2x512xf32, #tpu.memory_space<vmem>>, %arg7: memref<2x768x128xf32, #tpu.memory_space<vmem>>, %arg8: memref<2x128xf32, #tpu.memory_space<vmem>>, %arg9: memref<2x3x16x512xf32, #tpu.memory_space<vmem>>, %arg10: memref<2x16x128xf32, #tpu.memory_space<vmem>>) attributes {dimension_semantics = [], scalar_prefetch = 0 : i64, scratch_operands = 0 : i64, tpu.core_type = #tpu.core_type<tc>} {
    %get3A = arith.constant 0 : index
    %get3A_0 = arith.constant 0 : index
    %get3A_1 = vector.load %arg0[%get3A, %get3A_0] : memref<16x768xf32, #tpu.memory_space<vmem>>, vector<16x768xf32>
    %get3A_2 = arith.constant 0 : index
    %get3A_3 = arith.constant 0 : index
    %get3A_4 = arith.constant 0 : index
    %get3A_5 = vector.load %arg1[%get3A_2, %get3A_3, %get3A_4] : memref<16x32x768xf32, #tpu.memory_space<vmem>>, vector<16x32x768xf32>
    %get3A_6 = arith.constant 0 : index
    %get3A_7 = arith.constant 0 : index
    %get3A_8 = vector.load %arg2[%get3A_6, %get3A_7] : memref<16x32xf32, #tpu.memory_space<vmem>>, vector<16x32xf32>
    %get3A_9 = arith.constant 0 : index
    %get3A_10 = arith.constant 0 : index
    %get3A_11 = arith.constant 0 : index
    %get3A_12 = arith.constant 0 : index
    %get3A_13 = vector.load %arg3[%get3A_9, %get3A_10, %get3A_11, %get3A_12] : memref<2x3x768x768xf32, #tpu.memory_space<vmem>>, vector<1x1x768x768xf32>
    %get3A_14 = vector.shape_cast %get3A_13 : vector<1x1x768x768xf32> to vector<768x768xf32>
    %get3A_15 = arith.constant 0 : index
    %get3A_16 = arith.constant 0 : index
    %get3A_17 = arith.constant 0 : index
    %get3A_18 = vector.load %arg4[%get3A_15, %get3A_16, %get3A_17] : memref<2x3x768xf32, #tpu.memory_space<vmem>>, vector<1x1x768xf32>
    %get3A_19 = vector.shape_cast %get3A_18 : vector<1x1x768xf32> to vector<768xf32>
    %dot_general3A = arith.constant dense<0.000000e+00> : vector<16x768xf32>
    %dot_general3A_20 = tpu.matmul %get3A_1, %get3A_14, %dot_general3A {dimension_numbers = #tpu.dot_dimension_numbers<[1], [0], [0], [1], [0, 0, 1, 1], [], []>, transpose_lhs_hint = false} : vector<16x768xf32>, vector<768x768xf32>, vector<16x768xf32> -> vector<16x768xf32>
    %broadcast_in_dim3A = vector.shape_cast %get3A_19 : vector<768xf32> to vector<1x768xf32>
    %add3A = vector.broadcast %broadcast_in_dim3A : vector<1x768xf32> to vector<16x768xf32>
    %add3A_21 = arith.addf %dot_general3A_20, %add3A : vector<16x768xf32>
    %tanh3A = math.tanh %add3A_21 : vector<16x768xf32>
    %broadcast_in_dim3A_22 = vector.shape_cast %tanh3A : vector<16x768xf32> to vector<16x1x768xf32>
    %mul3A = vector.broadcast %broadcast_in_dim3A_22 : vector<16x1x768xf32> to vector<16x32x768xf32>
    %mul3A_23 = arith.mulf %mul3A, %get3A_5 : vector<16x32x768xf32>
    %reduce_sum3A = arith.constant dense<0.000000e+00> : vector<16x32xf32>
    %reduce_sum3A_24 = vector.multi_reduction <add>, %mul3A_23, %reduce_sum3A [2] : vector<16x32x768xf32> to vector<16x32xf32>
    %reduce_max3A = arith.constant dense<0xFF800000> : vector<16xf32>
    %reduce_max3A_25 = vector.multi_reduction <maximumf>, %reduce_sum3A_24, %reduce_max3A [1] : vector<16x32xf32> to vector<16xf32>
    %broadcast_in_dim3A_26 = vector.shape_cast %reduce_max3A_25 : vector<16xf32> to vector<16x1xf32>
    %sub3A = vector.broadcast %broadcast_in_dim3A_26 : vector<16x1xf32> to vector<16x32xf32>
    %sub3A_27 = arith.subf %reduce_sum3A_24, %sub3A : vector<16x32xf32>
    %exp3A = math.exp %sub3A_27 : vector<16x32xf32>
    %reduce_sum3A_28 = arith.constant dense<0.000000e+00> : vector<16xf32>
    %reduce_sum3A_29 = vector.multi_reduction <add>, %exp3A, %reduce_sum3A_28 [1] : vector<16x32xf32> to vector<16xf32>
    %broadcast_in_dim3A_30 = vector.shape_cast %reduce_sum3A_29 : vector<16xf32> to vector<16x1xf32>
    %div3A = vector.broadcast %broadcast_in_dim3A_30 : vector<16x1xf32> to vector<16x32xf32>
    %div3A_31 = arith.divf %exp3A, %div3A : vector<16x32xf32>
    %mul3A_32 = arith.mulf %div3A_31, %get3A_8 : vector<16x32xf32>
    %reduce_sum3A_33 = arith.constant dense<0.000000e+00> : vector<16xf32>
    %reduce_sum3A_34 = vector.multi_reduction <add>, %mul3A_32, %reduce_sum3A_33 [1] : vector<16x32xf32> to vector<16xf32>
    %broadcast_in_dim3A_35 = vector.shape_cast %reduce_sum3A_34 : vector<16xf32> to vector<16x1xf32>
    %add3A_36 = arith.constant 9.99999997E-7 : f32
    %add3A_37 = vector.broadcast %add3A_36 : f32 to vector<16x1xf32>
    %add3A_38 = arith.addf %broadcast_in_dim3A_35, %add3A_37 : vector<16x1xf32>
    %div3A_39 = vector.broadcast %add3A_38 : vector<16x1xf32> to vector<16x32xf32>
    %div3A_40 = arith.divf %mul3A_32, %div3A_39 : vector<16x32xf32>
    %broadcast_in_dim3A_41 = vector.shape_cast %div3A_40 : vector<16x32xf32> to vector<16x32x1xf32>
    %mul3A_42 = vector.broadcast %broadcast_in_dim3A_41 : vector<16x32x1xf32> to vector<16x32x768xf32>
    %mul3A_43 = arith.mulf %mul3A_42, %get3A_5 : vector<16x32x768xf32>
    %reduce_sum3A_44 = arith.constant dense<0.000000e+00> : vector<16x768xf32>
    %reduce_sum3A_45 = vector.multi_reduction <add>, %mul3A_43, %reduce_sum3A_44 [1] : vector<16x32x768xf32> to vector<16x768xf32>
    %get3A_46 = arith.constant 0 : index
    %get3A_47 = arith.constant 0 : index
    %get3A_48 = arith.constant 0 : index
    %get3A_49 = vector.load %arg5[%get3A_46, %get3A_47, %get3A_48] : memref<2x768x512xf32, #tpu.memory_space<vmem>>, vector<1x768x512xf32>
    %get3A_50 = vector.shape_cast %get3A_49 : vector<1x768x512xf32> to vector<768x512xf32>
    %dot_general3A_51 = arith.constant dense<0.000000e+00> : vector<16x512xf32>
    %dot_general3A_52 = tpu.matmul %reduce_sum3A_45, %get3A_50, %dot_general3A_51 {dimension_numbers = #tpu.dot_dimension_numbers<[1], [0], [0], [1], [0, 0, 1, 1], [], []>, transpose_lhs_hint = false} : vector<16x768xf32>, vector<768x512xf32>, vector<16x512xf32> -> vector<16x512xf32>
    %get3A_53 = arith.constant 0 : index
    %get3A_54 = arith.constant 0 : index
    %get3A_55 = vector.load %arg6[%get3A_53, %get3A_54] : memref<2x512xf32, #tpu.memory_space<vmem>>, vector<1x512xf32>
    %get3A_56 = vector.shape_cast %get3A_55 : vector<1x512xf32> to vector<512xf32>
    %broadcast_in_dim3A_57 = vector.shape_cast %get3A_56 : vector<512xf32> to vector<1x512xf32>
    %add3A_58 = vector.broadcast %broadcast_in_dim3A_57 : vector<1x512xf32> to vector<16x512xf32>
    %add3A_59 = arith.addf %dot_general3A_52, %add3A_58 : vector<16x512xf32>
    %neg3A = arith.constant 0.000000e+00 : f32
    %neg3A_60 = vector.broadcast %neg3A : f32 to vector<16x512xf32>
    %neg3A_61 = arith.subf %neg3A_60, %add3A_59 : vector<16x512xf32>
    %exp3A_62 = math.exp %neg3A_61 : vector<16x512xf32>
    %add3A_63 = arith.constant 1.000000e+00 : f32
    %add3A_64 = vector.broadcast %add3A_63 : f32 to vector<16x512xf32>
    %add3A_65 = arith.addf %add3A_64, %exp3A_62 : vector<16x512xf32>
    %div3A_66 = arith.constant 1.000000e+00 : f32
    %div3A_67 = vector.broadcast %div3A_66 : f32 to vector<16x512xf32>
    %div3A_68 = arith.divf %div3A_67, %add3A_65 : vector<16x512xf32>
    %swap3A = arith.constant 0 : index
    %swap3A_69 = arith.constant 0 : index
    %swap3A_70 = arith.constant 0 : index
    %swap3A_71 = arith.constant 0 : index
    %swap3A_72 = vector.load %arg9[%swap3A, %swap3A_69, %swap3A_70, %swap3A_71] : memref<2x3x16x512xf32, #tpu.memory_space<vmem>>, vector<1x1x16x512xf32>
    %swap3A_73 = vector.shape_cast %swap3A_72 : vector<1x1x16x512xf32> to vector<16x512xf32>
    %swap3A_74 = vector.shape_cast %div3A_68 : vector<16x512xf32> to vector<1x1x16x512xf32>
    tpu.vector_store %arg9[%swap3A, %swap3A_69, %swap3A_70, %swap3A_71], %swap3A_74 {strides = array<i32>} : memref<2x3x16x512xf32, #tpu.memory_space<vmem>>, vector<1x1x16x512xf32>,
    %get3A_75 = arith.constant 0 : index
    %get3A_76 = arith.constant 1 : index
    %get3A_77 = arith.constant 0 : index
    %get3A_78 = arith.constant 0 : index
    %get3A_79 = vector.load %arg3[%get3A_75, %get3A_76, %get3A_77, %get3A_78] : memref<2x3x768x768xf32, #tpu.memory_space<vmem>>, vector<1x1x768x768xf32>
    %get3A_80 = vector.shape_cast %get3A_79 : vector<1x1x768x768xf32> to vector<768x768xf32>
    %get3A_81 = arith.constant 0 : index
    %get3A_82 = arith.constant 1 : index
    %get3A_83 = arith.constant 0 : index
    %get3A_84 = vector.load %arg4[%get3A_81, %get3A_82, %get3A_83] : memref<2x3x768xf32, #tpu.memory_space<vmem>>, vector<1x1x768xf32>
    %get3A_85 = vector.shape_cast %get3A_84 : vector<1x1x768xf32> to vector<768xf32>
    %dot_general3A_86 = arith.constant dense<0.000000e+00> : vector<16x768xf32>
    %dot_general3A_87 = tpu.matmul %get3A_1, %get3A_80, %dot_general3A_86 {dimension_numbers = #tpu.dot_dimension_numbers<[1], [0], [0], [1], [0, 0, 1, 1], [], []>, transpose_lhs_hint = false} : vector<16x768xf32>, vector<768x768xf32>, vector<16x768xf32> -> vector<16x768xf32>
    %broadcast_in_dim3A_88 = vector.shape_cast %get3A_85 : vector<768xf32> to vector<1x768xf32>
    %add3A_89 = vector.broadcast %broadcast_in_dim3A_88 : vector<1x768xf32> to vector<16x768xf32>
    %add3A_90 = arith.addf %dot_general3A_87, %add3A_89 : vector<16x768xf32>
    %tanh3A_91 = math.tanh %add3A_90 : vector<16x768xf32>
    %broadcast_in_dim3A_92 = vector.shape_cast %tanh3A_91 : vector<16x768xf32> to vector<16x1x768xf32>
    %mul3A_93 = vector.broadcast %broadcast_in_dim3A_92 : vector<16x1x768xf32> to vector<16x32x768xf32>
    %mul3A_94 = arith.mulf %mul3A_93, %get3A_5 : vector<16x32x768xf32>
    %reduce_sum3A_95 = arith.constant dense<0.000000e+00> : vector<16x32xf32>
    %reduce_sum3A_96 = vector.multi_reduction <add>, %mul3A_94, %reduce_sum3A_95 [2] : vector<16x32x768xf32> to vector<16x32xf32>
    %reduce_max3A_97 = arith.constant dense<0xFF800000> : vector<16xf32>
    %reduce_max3A_98 = vector.multi_reduction <maximumf>, %reduce_sum3A_96, %reduce_max3A_97 [1] : vector<16x32xf32> to vector<16xf32>
    %broadcast_in_dim3A_99 = vector.shape_cast %reduce_max3A_98 : vector<16xf32> to vector<16x1xf32>
    %sub3A_100 = vector.broadcast %broadcast_in_dim3A_99 : vector<16x1xf32> to vector<16x32xf32>
    %sub3A_101 = arith.subf %reduce_sum3A_96, %sub3A_100 : vector<16x32xf32>
    %exp3A_102 = math.exp %sub3A_101 : vector<16x32xf32>
    %reduce_sum3A_103 = arith.constant dense<0.000000e+00> : vector<16xf32>
    %reduce_sum3A_104 = vector.multi_reduction <add>, %exp3A_102, %reduce_sum3A_103 [1] : vector<16x32xf32> to vector<16xf32>
    %broadcast_in_dim3A_105 = vector.shape_cast %reduce_sum3A_104 : vector<16xf32> to vector<16x1xf32>
    %div3A_106 = vector.broadcast %broadcast_in_dim3A_105 : vector<16x1xf32> to vector<16x32xf32>
    %div3A_107 = arith.divf %exp3A_102, %div3A_106 : vector<16x32xf32>
    %mul3A_108 = arith.mulf %div3A_107, %get3A_8 : vector<16x32xf32>
    %reduce_sum3A_109 = arith.constant dense<0.000000e+00> : vector<16xf32>
    %reduce_sum3A_110 = vector.multi_reduction <add>, %mul3A_108, %reduce_sum3A_109 [1] : vector<16x32xf32> to vector<16xf32>
    %broadcast_in_dim3A_111 = vector.shape_cast %reduce_sum3A_110 : vector<16xf32> to vector<16x1xf32>
    %add3A_112 = arith.constant 9.99999997E-7 : f32
    %add3A_113 = vector.broadcast %add3A_112 : f32 to vector<16x1xf32>
    %add3A_114 = arith.addf %broadcast_in_dim3A_111, %add3A_113 : vector<16x1xf32>
    %div3A_115 = vector.broadcast %add3A_114 : vector<16x1xf32> to vector<16x32xf32>
    %div3A_116 = arith.divf %mul3A_108, %div3A_115 : vector<16x32xf32>
    %broadcast_in_dim3A_117 = vector.shape_cast %div3A_116 : vector<16x32xf32> to vector<16x32x1xf32>
    %mul3A_118 = vector.broadcast %broadcast_in_dim3A_117 : vector<16x32x1xf32> to vector<16x32x768xf32>
    %mul3A_119 = arith.mulf %mul3A_118, %get3A_5 : vector<16x32x768xf32>
    %reduce_sum3A_120 = arith.constant dense<0.000000e+00> : vector<16x768xf32>
    %reduce_sum3A_121 = vector.multi_reduction <add>, %mul3A_119, %reduce_sum3A_120 [1] : vector<16x32x768xf32> to vector<16x768xf32>
    %get3A_122 = arith.constant 0 : index
    %get3A_123 = arith.constant 0 : index
    %get3A_124 = arith.constant 0 : index
    %get3A_125 = vector.load %arg5[%get3A_122, %get3A_123, %get3A_124] : memref<2x768x512xf32, #tpu.memory_space<vmem>>, vector<1x768x512xf32>
    %get3A_126 = vector.shape_cast %get3A_125 : vector<1x768x512xf32> to vector<768x512xf32>
    %dot_general3A_127 = arith.constant dense<0.000000e+00> : vector<16x512xf32>
    %dot_general3A_128 = tpu.matmul %reduce_sum3A_121, %get3A_126, %dot_general3A_127 {dimension_numbers = #tpu.dot_dimension_numbers<[1], [0], [0], [1], [0, 0, 1, 1], [], []>, transpose_lhs_hint = false} : vector<16x768xf32>, vector<768x512xf32>, vector<16x512xf32> -> vector<16x512xf32>
    %get3A_129 = arith.constant 0 : index
    %get3A_130 = arith.constant 0 : index
    %get3A_131 = vector.load %arg6[%get3A_129, %get3A_130] : memref<2x512xf32, #tpu.memory_space<vmem>>, vector<1x512xf32>
    %get3A_132 = vector.shape_cast %get3A_131 : vector<1x512xf32> to vector<512xf32>
    %broadcast_in_dim3A_133 = vector.shape_cast %get3A_132 : vector<512xf32> to vector<1x512xf32>
    %add3A_134 = vector.broadcast %broadcast_in_dim3A_133 : vector<1x512xf32> to vector<16x512xf32>
    %add3A_135 = arith.addf %dot_general3A_128, %add3A_134 : vector<16x512xf32>
    %neg3A_136 = arith.constant 0.000000e+00 : f32
    %neg3A_137 = vector.broadcast %neg3A_136 : f32 to vector<16x512xf32>
    %neg3A_138 = arith.subf %neg3A_137, %add3A_135 : vector<16x512xf32>
    %exp3A_139 = math.exp %neg3A_138 : vector<16x512xf32>
    %add3A_140 = arith.constant 1.000000e+00 : f32
    %add3A_141 = vector.broadcast %add3A_140 : f32 to vector<16x512xf32>
    %add3A_142 = arith.addf %add3A_141, %exp3A_139 : vector<16x512xf32>
    %div3A_143 = arith.constant 1.000000e+00 : f32
    %div3A_144 = vector.broadcast %div3A_143 : f32 to vector<16x512xf32>
    %div3A_145 = arith.divf %div3A_144, %add3A_142 : vector<16x512xf32>
    %swap3A_146 = arith.constant 0 : index
    %swap3A_147 = arith.constant 1 : index
    %swap3A_148 = arith.constant 0 : index
    %swap3A_149 = arith.constant 0 : index
    %swap3A_150 = vector.load %arg9[%swap3A_146, %swap3A_147, %swap3A_148, %swap3A_149] : memref<2x3x16x512xf32, #tpu.memory_space<vmem>>, vector<1x1x16x512xf32>
    %swap3A_151 = vector.shape_cast %swap3A_150 : vector<1x1x16x512xf32> to vector<16x512xf32>
    %swap3A_152 = vector.shape_cast %div3A_145 : vector<16x512xf32> to vector<1x1x16x512xf32>
    tpu.vector_store %arg9[%swap3A_146, %swap3A_147, %swap3A_148, %swap3A_149], %swap3A_152 {strides = array<i32>} : memref<2x3x16x512xf32, #tpu.memory_space<vmem>>, vector<1x1x16x512xf32>,
    %get3A_153 = arith.constant 0 : index
    %get3A_154 = arith.constant 2 : index
    %get3A_155 = arith.constant 0 : index
    %get3A_156 = arith.constant 0 : index
    %get3A_157 = vector.load %arg3[%get3A_153, %get3A_154, %get3A_155, %get3A_156] : memref<2x3x768x768xf32, #tpu.memory_space<vmem>>, vector<1x1x768x768xf32>
    %get3A_158 = vector.shape_cast %get3A_157 : vector<1x1x768x768xf32> to vector<768x768xf32>
    %get3A_159 = arith.constant 0 : index
    %get3A_160 = arith.constant 2 : index
    %get3A_161 = arith.constant 0 : index
    %get3A_162 = vector.load %arg4[%get3A_159, %get3A_160, %get3A_161] : memref<2x3x768xf32, #tpu.memory_space<vmem>>, vector<1x1x768xf32>
    %get3A_163 = vector.shape_cast %get3A_162 : vector<1x1x768xf32> to vector<768xf32>
    %dot_general3A_164 = arith.constant dense<0.000000e+00> : vector<16x768xf32>
    %dot_general3A_165 = tpu.matmul %get3A_1, %get3A_158, %dot_general3A_164 {dimension_numbers = #tpu.dot_dimension_numbers<[1], [0], [0], [1], [0, 0, 1, 1], [], []>, transpose_lhs_hint = false} : vector<16x768xf32>, vector<768x768xf32>, vector<16x768xf32> -> vector<16x768xf32>
    %broadcast_in_dim3A_166 = vector.shape_cast %get3A_163 : vector<768xf32> to vector<1x768xf32>
    %add3A_167 = vector.broadcast %broadcast_in_dim3A_166 : vector<1x768xf32> to vector<16x768xf32>
    %add3A_168 = arith.addf %dot_general3A_165, %add3A_167 : vector<16x768xf32>
    %tanh3A_169 = math.tanh %add3A_168 : vector<16x768xf32>
    %broadcast_in_dim3A_170 = vector.shape_cast %tanh3A_169 : vector<16x768xf32> to vector<16x1x768xf32>
    %mul3A_171 = vector.broadcast %broadcast_in_dim3A_170 : vector<16x1x768xf32> to vector<16x32x768xf32>
    %mul3A_172 = arith.mulf %mul3A_171, %get3A_5 : vector<16x32x768xf32>
    %reduce_sum3A_173 = arith.constant dense<0.000000e+00> : vector<16x32xf32>
    %reduce_sum3A_174 = vector.multi_reduction <add>, %mul3A_172, %reduce_sum3A_173 [2] : vector<16x32x768xf32> to vector<16x32xf32>
    %reduce_max3A_175 = arith.constant dense<0xFF800000> : vector<16xf32>
    %reduce_max3A_176 = vector.multi_reduction <maximumf>, %reduce_sum3A_174, %reduce_max3A_175 [1] : vector<16x32xf32> to vector<16xf32>
    %broadcast_in_dim3A_177 = vector.shape_cast %reduce_max3A_176 : vector<16xf32> to vector<16x1xf32>
    %sub3A_178 = vector.broadcast %broadcast_in_dim3A_177 : vector<16x1xf32> to vector<16x32xf32>
    %sub3A_179 = arith.subf %reduce_sum3A_174, %sub3A_178 : vector<16x32xf32>
    %exp3A_180 = math.exp %sub3A_179 : vector<16x32xf32>
    %reduce_sum3A_181 = arith.constant dense<0.000000e+00> : vector<16xf32>
    %reduce_sum3A_182 = vector.multi_reduction <add>, %exp3A_180, %reduce_sum3A_181 [1] : vector<16x32xf32> to vector<16xf32>
    %broadcast_in_dim3A_183 = vector.shape_cast %reduce_sum3A_182 : vector<16xf32> to vector<16x1xf32>
    %div3A_184 = vector.broadcast %broadcast_in_dim3A_183 : vector<16x1xf32> to vector<16x32xf32>
    %div3A_185 = arith.divf %exp3A_180, %div3A_184 : vector<16x32xf32>
    %mul3A_186 = arith.mulf %div3A_185, %get3A_8 : vector<16x32xf32>
    %reduce_sum3A_187 = arith.constant dense<0.000000e+00> : vector<16xf32>
    %reduce_sum3A_188 = vector.multi_reduction <add>, %mul3A_186, %reduce_sum3A_187 [1] : vector<16x32xf32> to vector<16xf32>
    %broadcast_in_dim3A_189 = vector.shape_cast %reduce_sum3A_188 : vector<16xf32> to vector<16x1xf32>
    %add3A_190 = arith.constant 9.99999997E-7 : f32
    %add3A_191 = vector.broadcast %add3A_190 : f32 to vector<16x1xf32>
    %add3A_192 = arith.addf %broadcast_in_dim3A_189, %add3A_191 : vector<16x1xf32>
    %div3A_193 = vector.broadcast %add3A_192 : vector<16x1xf32> to vector<16x32xf32>
    %div3A_194 = arith.divf %mul3A_186, %div3A_193 : vector<16x32xf32>
    %broadcast_in_dim3A_195 = vector.shape_cast %div3A_194 : vector<16x32xf32> to vector<16x32x1xf32>
    %mul3A_196 = vector.broadcast %broadcast_in_dim3A_195 : vector<16x32x1xf32> to vector<16x32x768xf32>
    %mul3A_197 = arith.mulf %mul3A_196, %get3A_5 : vector<16x32x768xf32>
    %reduce_sum3A_198 = arith.constant dense<0.000000e+00> : vector<16x768xf32>
    %reduce_sum3A_199 = vector.multi_reduction <add>, %mul3A_197, %reduce_sum3A_198 [1] : vector<16x32x768xf32> to vector<16x768xf32>
    %get3A_200 = arith.constant 0 : index
    %get3A_201 = arith.constant 0 : index
    %get3A_202 = arith.constant 0 : index
    %get3A_203 = vector.load %arg5[%get3A_200, %get3A_201, %get3A_202] : memref<2x768x512xf32, #tpu.memory_space<vmem>>, vector<1x768x512xf32>
    %get3A_204 = vector.shape_cast %get3A_203 : vector<1x768x512xf32> to vector<768x512xf32>
    %dot_general3A_205 = arith.constant dense<0.000000e+00> : vector<16x512xf32>
    %dot_general3A_206 = tpu.matmul %reduce_sum3A_199, %get3A_204, %dot_general3A_205 {dimension_numbers = #tpu.dot_dimension_numbers<[1], [0], [0], [1], [0, 0, 1, 1], [], []>, transpose_lhs_hint = false} : vector<16x768xf32>, vector<768x512xf32>, vector<16x512xf32> -> vector<16x512xf32>
    %get3A_207 = arith.constant 0 : index
    %get3A_208 = arith.constant 0 : index
    %get3A_209 = vector.load %arg6[%get3A_207, %get3A_208] : memref<2x512xf32, #tpu.memory_space<vmem>>, vector<1x512xf32>
    %get3A_210 = vector.shape_cast %get3A_209 : vector<1x512xf32> to vector<512xf32>
    %broadcast_in_dim3A_211 = vector.shape_cast %get3A_210 : vector<512xf32> to vector<1x512xf32>
    %add3A_212 = vector.broadcast %broadcast_in_dim3A_211 : vector<1x512xf32> to vector<16x512xf32>
    %add3A_213 = arith.addf %dot_general3A_206, %add3A_212 : vector<16x512xf32>
    %neg3A_214 = arith.constant 0.000000e+00 : f32
    %neg3A_215 = vector.broadcast %neg3A_214 : f32 to vector<16x512xf32>
    %neg3A_216 = arith.subf %neg3A_215, %add3A_213 : vector<16x512xf32>
    %exp3A_217 = math.exp %neg3A_216 : vector<16x512xf32>
    %add3A_218 = arith.constant 1.000000e+00 : f32
    %add3A_219 = vector.broadcast %add3A_218 : f32 to vector<16x512xf32>
    %add3A_220 = arith.addf %add3A_219, %exp3A_217 : vector<16x512xf32>
    %div3A_221 = arith.constant 1.000000e+00 : f32
    %div3A_222 = vector.broadcast %div3A_221 : f32 to vector<16x512xf32>
    %div3A_223 = arith.divf %div3A_222, %add3A_220 : vector<16x512xf32>
    %swap3A_224 = arith.constant 0 : index
    %swap3A_225 = arith.constant 2 : index
    %swap3A_226 = arith.constant 0 : index
    %swap3A_227 = arith.constant 0 : index
    %swap3A_228 = vector.load %arg9[%swap3A_224, %swap3A_225, %swap3A_226, %swap3A_227] : memref<2x3x16x512xf32, #tpu.memory_space<vmem>>, vector<1x1x16x512xf32>
    %swap3A_229 = vector.shape_cast %swap3A_228 : vector<1x1x16x512xf32> to vector<16x512xf32>
    %swap3A_230 = vector.shape_cast %div3A_223 : vector<16x512xf32> to vector<1x1x16x512xf32>
    tpu.vector_store %arg9[%swap3A_224, %swap3A_225, %swap3A_226, %swap3A_227], %swap3A_230 {strides = array<i32>} : memref<2x3x16x512xf32, #tpu.memory_space<vmem>>, vector<1x1x16x512xf32>,
    %get3A_231 = arith.constant 0 : index
    %get3A_232 = arith.constant 0 : index
    %get3A_233 = arith.constant 0 : index
    %get3A_234 = vector.load %arg7[%get3A_231, %get3A_232, %get3A_233] : memref<2x768x128xf32, #tpu.memory_space<vmem>>, vector<1x768x128xf32>
    %get3A_235 = vector.shape_cast %get3A_234 : vector<1x768x128xf32> to vector<768x128xf32>
    %dot_general3A_236 = arith.constant dense<0.000000e+00> : vector<16x128xf32>
    %dot_general3A_237 = tpu.matmul %get3A_1, %get3A_235, %dot_general3A_236 {dimension_numbers = #tpu.dot_dimension_numbers<[1], [0], [0], [1], [0, 0, 1, 1], [], []>, transpose_lhs_hint = false} : vector<16x768xf32>, vector<768x128xf32>, vector<16x128xf32> -> vector<16x128xf32>
    %get3A_238 = arith.constant 0 : index
    %get3A_239 = arith.constant 0 : index
    %get3A_240 = vector.load %arg8[%get3A_238, %get3A_239] : memref<2x128xf32, #tpu.memory_space<vmem>>, vector<1x128xf32>
    %get3A_241 = vector.shape_cast %get3A_240 : vector<1x128xf32> to vector<128xf32>
    %broadcast_in_dim3A_242 = vector.shape_cast %get3A_241 : vector<128xf32> to vector<1x128xf32>
    %add3A_243 = vector.broadcast %broadcast_in_dim3A_242 : vector<1x128xf32> to vector<16x128xf32>
    %add3A_244 = arith.addf %dot_general3A_237, %add3A_243 : vector<16x128xf32>
    %reduce_max3A_245 = arith.constant dense<0xFF800000> : vector<16xf32>
    %reduce_max3A_246 = vector.multi_reduction <maximumf>, %add3A_244, %reduce_max3A_245 [1] : vector<16x128xf32> to vector<16xf32>
    %broadcast_in_dim3A_247 = vector.shape_cast %reduce_max3A_246 : vector<16xf32> to vector<16x1xf32>
    %sub3A_248 = vector.broadcast %broadcast_in_dim3A_247 : vector<16x1xf32> to vector<16x128xf32>
    %sub3A_249 = arith.subf %add3A_244, %sub3A_248 : vector<16x128xf32>
    %exp3A_250 = math.exp %sub3A_249 : vector<16x128xf32>
    %reduce_sum3A_251 = arith.constant dense<0.000000e+00> : vector<16xf32>
    %reduce_sum3A_252 = vector.multi_reduction <add>, %exp3A_250, %reduce_sum3A_251 [1] : vector<16x128xf32> to vector<16xf32>
    %broadcast_in_dim3A_253 = vector.shape_cast %reduce_sum3A_252 : vector<16xf32> to vector<16x1xf32>
    %div3A_254 = vector.broadcast %broadcast_in_dim3A_253 : vector<16x1xf32> to vector<16x128xf32>
    %div3A_255 = arith.divf %exp3A_250, %div3A_254 : vector<16x128xf32>
    %swap3A_256 = arith.constant 0 : index
    %swap3A_257 = arith.constant 0 : index
    %swap3A_258 = arith.constant 0 : index
    %swap3A_259 = vector.load %arg10[%swap3A_256, %swap3A_257, %swap3A_258] : memref<2x16x128xf32, #tpu.memory_space<vmem>>, vector<1x16x128xf32>
    %swap3A_260 = vector.shape_cast %swap3A_259 : vector<1x16x128xf32> to vector<16x128xf32>
    %swap3A_261 = vector.shape_cast %div3A_255 : vector<16x128xf32> to vector<1x16x128xf32>
    tpu.vector_store %arg10[%swap3A_256, %swap3A_257, %swap3A_258], %swap3A_261 {strides = array<i32>} : memref<2x16x128xf32, #tpu.memory_space<vmem>>, vector<1x16x128xf32>,
    %get3A_262 = arith.constant 1 : index
    %get3A_263 = arith.constant 0 : index
    %get3A_264 = arith.constant 0 : index
    %get3A_265 = arith.constant 0 : index
    %get3A_266 = vector.load %arg3[%get3A_262, %get3A_263, %get3A_264, %get3A_265] : memref<2x3x768x768xf32, #tpu.memory_space<vmem>>, vector<1x1x768x768xf32>
    %get3A_267 = vector.shape_cast %get3A_266 : vector<1x1x768x768xf32> to vector<768x768xf32>
    %get3A_268 = arith.constant 1 : index
    %get3A_269 = arith.constant 0 : index
    %get3A_270 = arith.constant 0 : index
    %get3A_271 = vector.load %arg4[%get3A_268, %get3A_269, %get3A_270] : memref<2x3x768xf32, #tpu.memory_space<vmem>>, vector<1x1x768xf32>
    %get3A_272 = vector.shape_cast %get3A_271 : vector<1x1x768xf32> to vector<768xf32>
    %dot_general3A_273 = arith.constant dense<0.000000e+00> : vector<16x768xf32>
    %dot_general3A_274 = tpu.matmul %get3A_1, %get3A_267, %dot_general3A_273 {dimension_numbers = #tpu.dot_dimension_numbers<[1], [0], [0], [1], [0, 0, 1, 1], [], []>, transpose_lhs_hint = false} : vector<16x768xf32>, vector<768x768xf32>, vector<16x768xf32> -> vector<16x768xf32>
    %broadcast_in_dim3A_275 = vector.shape_cast %get3A_272 : vector<768xf32> to vector<1x768xf32>
    %add3A_276 = vector.broadcast %broadcast_in_dim3A_275 : vector<1x768xf32> to vector<16x768xf32>
    %add3A_277 = arith.addf %dot_general3A_274, %add3A_276 : vector<16x768xf32>
    %tanh3A_278 = math.tanh %add3A_277 : vector<16x768xf32>
    %broadcast_in_dim3A_279 = vector.shape_cast %tanh3A_278 : vector<16x768xf32> to vector<16x1x768xf32>
    %mul3A_280 = vector.broadcast %broadcast_in_dim3A_279 : vector<16x1x768xf32> to vector<16x32x768xf32>
    %mul3A_281 = arith.mulf %mul3A_280, %get3A_5 : vector<16x32x768xf32>
    %reduce_sum3A_282 = arith.constant dense<0.000000e+00> : vector<16x32xf32>
    %reduce_sum3A_283 = vector.multi_reduction <add>, %mul3A_281, %reduce_sum3A_282 [2] : vector<16x32x768xf32> to vector<16x32xf32>
    %reduce_max3A_284 = arith.constant dense<0xFF800000> : vector<16xf32>
    %reduce_max3A_285 = vector.multi_reduction <maximumf>, %reduce_sum3A_283, %reduce_max3A_284 [1] : vector<16x32xf32> to vector<16xf32>
    %broadcast_in_dim3A_286 = vector.shape_cast %reduce_max3A_285 : vector<16xf32> to vector<16x1xf32>
    %sub3A_287 = vector.broadcast %broadcast_in_dim3A_286 : vector<16x1xf32> to vector<16x32xf32>
    %sub3A_288 = arith.subf %reduce_sum3A_283, %sub3A_287 : vector<16x32xf32>
    %exp3A_289 = math.exp %sub3A_288 : vector<16x32xf32>
    %reduce_sum3A_290 = arith.constant dense<0.000000e+00> : vector<16xf32>
    %reduce_sum3A_291 = vector.multi_reduction <add>, %exp3A_289, %reduce_sum3A_290 [1] : vector<16x32xf32> to vector<16xf32>
    %broadcast_in_dim3A_292 = vector.shape_cast %reduce_sum3A_291 : vector<16xf32> to vector<16x1xf32>
    %div3A_293 = vector.broadcast %broadcast_in_dim3A_292 : vector<16x1xf32> to vector<16x32xf32>
    %div3A_294 = arith.divf %exp3A_289, %div3A_293 : vector<16x32xf32>
    %mul3A_295 = arith.mulf %div3A_294, %get3A_8 : vector<16x32xf32>
    %reduce_sum3A_296 = arith.constant dense<0.000000e+00> : vector<16xf32>
    %reduce_sum3A_297 = vector.multi_reduction <add>, %mul3A_295, %reduce_sum3A_296 [1] : vector<16x32xf32> to vector<16xf32>
    %broadcast_in_dim3A_298 = vector.shape_cast %reduce_sum3A_297 : vector<16xf32> to vector<16x1xf32>
    %add3A_299 = arith.constant 9.99999997E-7 : f32
    %add3A_300 = vector.broadcast %add3A_299 : f32 to vector<16x1xf32>
    %add3A_301 = arith.addf %broadcast_in_dim3A_298, %add3A_300 : vector<16x1xf32>
    %div3A_302 = vector.broadcast %add3A_301 : vector<16x1xf32> to vector<16x32xf32>
    %div3A_303 = arith.divf %mul3A_295, %div3A_302 : vector<16x32xf32>
    %broadcast_in_dim3A_304 = vector.shape_cast %div3A_303 : vector<16x32xf32> to vector<16x32x1xf32>
    %mul3A_305 = vector.broadcast %broadcast_in_dim3A_304 : vector<16x32x1xf32> to vector<16x32x768xf32>
    %mul3A_306 = arith.mulf %mul3A_305, %get3A_5 : vector<16x32x768xf32>
    %reduce_sum3A_307 = arith.constant dense<0.000000e+00> : vector<16x768xf32>
    %reduce_sum3A_308 = vector.multi_reduction <add>, %mul3A_306, %reduce_sum3A_307 [1] : vector<16x32x768xf32> to vector<16x768xf32>
    %get3A_309 = arith.constant 1 : index
    %get3A_310 = arith.constant 0 : index
    %get3A_311 = arith.constant 0 : index
    %get3A_312 = vector.load %arg5[%get3A_309, %get3A_310, %get3A_311] : memref<2x768x512xf32, #tpu.memory_space<vmem>>, vector<1x768x512xf32>
    %get3A_313 = vector.shape_cast %get3A_312 : vector<1x768x512xf32> to vector<768x512xf32>
    %dot_general3A_314 = arith.constant dense<0.000000e+00> : vector<16x512xf32>
    %dot_general3A_315 = tpu.matmul %reduce_sum3A_308, %get3A_313, %dot_general3A_314 {dimension_numbers = #tpu.dot_dimension_numbers<[1], [0], [0], [1], [0, 0, 1, 1], [], []>, transpose_lhs_hint = false} : vector<16x768xf32>, vector<768x512xf32>, vector<16x512xf32> -> vector<16x512xf32>
    %get3A_316 = arith.constant 1 : index
    %get3A_317 = arith.constant 0 : index
    %get3A_318 = vector.load %arg6[%get3A_316, %get3A_317] : memref<2x512xf32, #tpu.memory_space<vmem>>, vector<1x512xf32>
    %get3A_319 = vector.shape_cast %get3A_318 : vector<1x512xf32> to vector<512xf32>
    %broadcast_in_dim3A_320 = vector.shape_cast %get3A_319 : vector<512xf32> to vector<1x512xf32>
    %add3A_321 = vector.broadcast %broadcast_in_dim3A_320 : vector<1x512xf32> to vector<16x512xf32>
    %add3A_322 = arith.addf %dot_general3A_315, %add3A_321 : vector<16x512xf32>
    %neg3A_323 = arith.constant 0.000000e+00 : f32
    %neg3A_324 = vector.broadcast %neg3A_323 : f32 to vector<16x512xf32>
    %neg3A_325 = arith.subf %neg3A_324, %add3A_322 : vector<16x512xf32>
    %exp3A_326 = math.exp %neg3A_325 : vector<16x512xf32>
    %add3A_327 = arith.constant 1.000000e+00 : f32
    %add3A_328 = vector.broadcast %add3A_327 : f32 to vector<16x512xf32>
    %add3A_329 = arith.addf %add3A_328, %exp3A_326 : vector<16x512xf32>
    %div3A_330 = arith.constant 1.000000e+00 : f32
    %div3A_331 = vector.broadcast %div3A_330 : f32 to vector<16x512xf32>
    %div3A_332 = arith.divf %div3A_331, %add3A_329 : vector<16x512xf32>
    %swap3A_333 = arith.constant 1 : index
    %swap3A_334 = arith.constant 0 : index
    %swap3A_335 = arith.constant 0 : index
    %swap3A_336 = arith.constant 0 : index
    %swap3A_337 = vector.load %arg9[%swap3A_333, %swap3A_334, %swap3A_335, %swap3A_336] : memref<2x3x16x512xf32, #tpu.memory_space<vmem>>, vector<1x1x16x512xf32>
    %swap3A_338 = vector.shape_cast %swap3A_337 : vector<1x1x16x512xf32> to vector<16x512xf32>
    %swap3A_339 = vector.shape_cast %div3A_332 : vector<16x512xf32> to vector<1x1x16x512xf32>
    tpu.vector_store %arg9[%swap3A_333, %swap3A_334, %swap3A_335, %swap3A_336], %swap3A_339 {strides = array<i32>} : memref<2x3x16x512xf32, #tpu.memory_space<vmem>>, vector<1x1x16x512xf32>,
    %get3A_340 = arith.constant 1 : index
    %get3A_341 = arith.constant 1 : index
    %get3A_342 = arith.constant 0 : index
    %get3A_343 = arith.constant 0 : index
    %get3A_344 = vector.load %arg3[%get3A_340, %get3A_341, %get3A_342, %get3A_343] : memref<2x3x768x768xf32, #tpu.memory_space<vmem>>, vector<1x1x768x768xf32>
    %get3A_345 = vector.shape_cast %get3A_344 : vector<1x1x768x768xf32> to vector<768x768xf32>
    %get3A_346 = arith.constant 1 : index
    %get3A_347 = arith.constant 1 : index
    %get3A_348 = arith.constant 0 : index
    %get3A_349 = vector.load %arg4[%get3A_346, %get3A_347, %get3A_348] : memref<2x3x768xf32, #tpu.memory_space<vmem>>, vector<1x1x768xf32>
    %get3A_350 = vector.shape_cast %get3A_349 : vector<1x1x768xf32> to vector<768xf32>
    %dot_general3A_351 = arith.constant dense<0.000000e+00> : vector<16x768xf32>
    %dot_general3A_352 = tpu.matmul %get3A_1, %get3A_345, %dot_general3A_351 {dimension_numbers = #tpu.dot_dimension_numbers<[1], [0], [0], [1], [0, 0, 1, 1], [], []>, transpose_lhs_hint = false} : vector<16x768xf32>, vector<768x768xf32>, vector<16x768xf32> -> vector<16x768xf32>
    %broadcast_in_dim3A_353 = vector.shape_cast %get3A_350 : vector<768xf32> to vector<1x768xf32>
    %add3A_354 = vector.broadcast %broadcast_in_dim3A_353 : vector<1x768xf32> to vector<16x768xf32>
    %add3A_355 = arith.addf %dot_general3A_352, %add3A_354 : vector<16x768xf32>
    %tanh3A_356 = math.tanh %add3A_355 : vector<16x768xf32>
    %broadcast_in_dim3A_357 = vector.shape_cast %tanh3A_356 : vector<16x768xf32> to vector<16x1x768xf32>
    %mul3A_358 = vector.broadcast %broadcast_in_dim3A_357 : vector<16x1x768xf32> to vector<16x32x768xf32>
    %mul3A_359 = arith.mulf %mul3A_358, %get3A_5 : vector<16x32x768xf32>
    %reduce_sum3A_360 = arith.constant dense<0.000000e+00> : vector<16x32xf32>
    %reduce_sum3A_361 = vector.multi_reduction <add>, %mul3A_359, %reduce_sum3A_360 [2] : vector<16x32x768xf32> to vector<16x32xf32>
    %reduce_max3A_362 = arith.constant dense<0xFF800000> : vector<16xf32>
    %reduce_max3A_363 = vector.multi_reduction <maximumf>, %reduce_sum3A_361, %reduce_max3A_362 [1] : vector<16x32xf32> to vector<16xf32>
    %broadcast_in_dim3A_364 = vector.shape_cast %reduce_max3A_363 : vector<16xf32> to vector<16x1xf32>
    %sub3A_365 = vector.broadcast %broadcast_in_dim3A_364 : vector<16x1xf32> to vector<16x32xf32>
    %sub3A_366 = arith.subf %reduce_sum3A_361, %sub3A_365 : vector<16x32xf32>
    %exp3A_367 = math.exp %sub3A_366 : vector<16x32xf32>
    %reduce_sum3A_368 = arith.constant dense<0.000000e+00> : vector<16xf32>
    %reduce_sum3A_369 = vector.multi_reduction <add>, %exp3A_367, %reduce_sum3A_368 [1] : vector<16x32xf32> to vector<16xf32>
    %broadcast_in_dim3A_370 = vector.shape_cast %reduce_sum3A_369 : vector<16xf32> to vector<16x1xf32>
    %div3A_371 = vector.broadcast %broadcast_in_dim3A_370 : vector<16x1xf32> to vector<16x32xf32>
    %div3A_372 = arith.divf %exp3A_367, %div3A_371 : vector<16x32xf32>
    %mul3A_373 = arith.mulf %div3A_372, %get3A_8 : vector<16x32xf32>
    %reduce_sum3A_374 = arith.constant dense<0.000000e+00> : vector<16xf32>
    %reduce_sum3A_375 = vector.multi_reduction <add>, %mul3A_373, %reduce_sum3A_374 [1] : vector<16x32xf32> to vector<16xf32>
    %broadcast_in_dim3A_376 = vector.shape_cast %reduce_sum3A_375 : vector<16xf32> to vector<16x1xf32>
    %add3A_377 = arith.constant 9.99999997E-7 : f32
    %add3A_378 = vector.broadcast %add3A_377 : f32 to vector<16x1xf32>
    %add3A_379 = arith.addf %broadcast_in_dim3A_376, %add3A_378 : vector<16x1xf32>
    %div3A_380 = vector.broadcast %add3A_379 : vector<16x1xf32> to vector<16x32xf32>
    %div3A_381 = arith.divf %mul3A_373, %div3A_380 : vector<16x32xf32>
    %broadcast_in_dim3A_382 = vector.shape_cast %div3A_381 : vector<16x32xf32> to vector<16x32x1xf32>
    %mul3A_383 = vector.broadcast %broadcast_in_dim3A_382 : vector<16x32x1xf32> to vector<16x32x768xf32>
    %mul3A_384 = arith.mulf %mul3A_383, %get3A_5 : vector<16x32x768xf32>
    %reduce_sum3A_385 = arith.constant dense<0.000000e+00> : vector<16x768xf32>
    %reduce_sum3A_386 = vector.multi_reduction <add>, %mul3A_384, %reduce_sum3A_385 [1] : vector<16x32x768xf32> to vector<16x768xf32>
    %get3A_387 = arith.constant 1 : index
    %get3A_388 = arith.constant 0 : index
    %get3A_389 = arith.constant 0 : index
    %get3A_390 = vector.load %arg5[%get3A_387, %get3A_388, %get3A_389] : memref<2x768x512xf32, #tpu.memory_space<vmem>>, vector<1x768x512xf32>
    %get3A_391 = vector.shape_cast %get3A_390 : vector<1x768x512xf32> to vector<768x512xf32>
    %dot_general3A_392 = arith.constant dense<0.000000e+00> : vector<16x512xf32>
    %dot_general3A_393 = tpu.matmul %reduce_sum3A_386, %get3A_391, %dot_general3A_392 {dimension_numbers = #tpu.dot_dimension_numbers<[1], [0], [0], [1], [0, 0, 1, 1], [], []>, transpose_lhs_hint = false} : vector<16x768xf32>, vector<768x512xf32>, vector<16x512xf32> -> vector<16x512xf32>
    %get3A_394 = arith.constant 1 : index
    %get3A_395 = arith.constant 0 : index
    %get3A_396 = vector.load %arg6[%get3A_394, %get3A_395] : memref<2x512xf32, #tpu.memory_space<vmem>>, vector<1x512xf32>
    %get3A_397 = vector.shape_cast %get3A_396 : vector<1x512xf32> to vector<512xf32>
    %broadcast_in_dim3A_398 = vector.shape_cast %get3A_397 : vector<512xf32> to vector<1x512xf32>
    %add3A_399 = vector.broadcast %broadcast_in_dim3A_398 : vector<1x512xf32> to vector<16x512xf32>
    %add3A_400 = arith.addf %dot_general3A_393, %add3A_399 : vector<16x512xf32>
    %neg3A_401 = arith.constant 0.000000e+00 : f32
    %neg3A_402 = vector.broadcast %neg3A_401 : f32 to vector<16x512xf32>
    %neg3A_403 = arith.subf %neg3A_402, %add3A_400 : vector<16x512xf32>
    %exp3A_404 = math.exp %neg3A_403 : vector<16x512xf32>
    %add3A_405 = arith.constant 1.000000e+00 : f32
    %add3A_406 = vector.broadcast %add3A_405 : f32 to vector<16x512xf32>
    %add3A_407 = arith.addf %add3A_406, %exp3A_404 : vector<16x512xf32>
    %div3A_408 = arith.constant 1.000000e+00 : f32
    %div3A_409 = vector.broadcast %div3A_408 : f32 to vector<16x512xf32>
    %div3A_410 = arith.divf %div3A_409, %add3A_407 : vector<16x512xf32>
    %swap3A_411 = arith.constant 1 : index
    %swap3A_412 = arith.constant 1 : index
    %swap3A_413 = arith.constant 0 : index
    %swap3A_414 = arith.constant 0 : index
    %swap3A_415 = vector.load %arg9[%swap3A_411, %swap3A_412, %swap3A_413, %swap3A_414] : memref<2x3x16x512xf32, #tpu.memory_space<vmem>>, vector<1x1x16x512xf32>
    %swap3A_416 = vector.shape_cast %swap3A_415 : vector<1x1x16x512xf32> to vector<16x512xf32>
    %swap3A_417 = vector.shape_cast %div3A_410 : vector<16x512xf32> to vector<1x1x16x512xf32>
    tpu.vector_store %arg9[%swap3A_411, %swap3A_412, %swap3A_413, %swap3A_414], %swap3A_417 {strides = array<i32>} : memref<2x3x16x512xf32, #tpu.memory_space<vmem>>, vector<1x1x16x512xf32>,
    %get3A_418 = arith.constant 1 : index
    %get3A_419 = arith.constant 2 : index
    %get3A_420 = arith.constant 0 : index
    %get3A_421 = arith.constant 0 : index
    %get3A_422 = vector.load %arg3[%get3A_418, %get3A_419, %get3A_420, %get3A_421] : memref<2x3x768x768xf32, #tpu.memory_space<vmem>>, vector<1x1x768x768xf32>
    %get3A_423 = vector.shape_cast %get3A_422 : vector<1x1x768x768xf32> to vector<768x768xf32>
    %get3A_424 = arith.constant 1 : index
    %get3A_425 = arith.constant 2 : index
    %get3A_426 = arith.constant 0 : index
    %get3A_427 = vector.load %arg4[%get3A_424, %get3A_425, %get3A_426] : memref<2x3x768xf32, #tpu.memory_space<vmem>>, vector<1x1x768xf32>
    %get3A_428 = vector.shape_cast %get3A_427 : vector<1x1x768xf32> to vector<768xf32>
    %dot_general3A_429 = arith.constant dense<0.000000e+00> : vector<16x768xf32>
    %dot_general3A_430 = tpu.matmul %get3A_1, %get3A_423, %dot_general3A_429 {dimension_numbers = #tpu.dot_dimension_numbers<[1], [0], [0], [1], [0, 0, 1, 1], [], []>, transpose_lhs_hint = false} : vector<16x768xf32>, vector<768x768xf32>, vector<16x768xf32> -> vector<16x768xf32>
    %broadcast_in_dim3A_431 = vector.shape_cast %get3A_428 : vector<768xf32> to vector<1x768xf32>
    %add3A_432 = vector.broadcast %broadcast_in_dim3A_431 : vector<1x768xf32> to vector<16x768xf32>
    %add3A_433 = arith.addf %dot_general3A_430, %add3A_432 : vector<16x768xf32>
    %tanh3A_434 = math.tanh %add3A_433 : vector<16x768xf32>
    %broadcast_in_dim3A_435 = vector.shape_cast %tanh3A_434 : vector<16x768xf32> to vector<16x1x768xf32>
    %mul3A_436 = vector.broadcast %broadcast_in_dim3A_435 : vector<16x1x768xf32> to vector<16x32x768xf32>
    %mul3A_437 = arith.mulf %mul3A_436, %get3A_5 : vector<16x32x768xf32>
    %reduce_sum3A_438 = arith.constant dense<0.000000e+00> : vector<16x32xf32>
    %reduce_sum3A_439 = vector.multi_reduction <add>, %mul3A_437, %reduce_sum3A_438 [2] : vector<16x32x768xf32> to vector<16x32xf32>
    %reduce_max3A_440 = arith.constant dense<0xFF800000> : vector<16xf32>
    %reduce_max3A_441 = vector.multi_reduction <maximumf>, %reduce_sum3A_439, %reduce_max3A_440 [1] : vector<16x32xf32> to vector<16xf32>
    %broadcast_in_dim3A_442 = vector.shape_cast %reduce_max3A_441 : vector<16xf32> to vector<16x1xf32>
    %sub3A_443 = vector.broadcast %broadcast_in_dim3A_442 : vector<16x1xf32> to vector<16x32xf32>
    %sub3A_444 = arith.subf %reduce_sum3A_439, %sub3A_443 : vector<16x32xf32>
    %exp3A_445 = math.exp %sub3A_444 : vector<16x32xf32>
    %reduce_sum3A_446 = arith.constant dense<0.000000e+00> : vector<16xf32>
    %reduce_sum3A_447 = vector.multi_reduction <add>, %exp3A_445, %reduce_sum3A_446 [1] : vector<16x32xf32> to vector<16xf32>
    %broadcast_in_dim3A_448 = vector.shape_cast %reduce_sum3A_447 : vector<16xf32> to vector<16x1xf32>
    %div3A_449 = vector.broadcast %broadcast_in_dim3A_448 : vector<16x1xf32> to vector<16x32xf32>
    %div3A_450 = arith.divf %exp3A_445, %div3A_449 : vector<16x32xf32>
    %mul3A_451 = arith.mulf %div3A_450, %get3A_8 : vector<16x32xf32>
    %reduce_sum3A_452 = arith.constant dense<0.000000e+00> : vector<16xf32>
    %reduce_sum3A_453 = vector.multi_reduction <add>, %mul3A_451, %reduce_sum3A_452 [1] : vector<16x32xf32> to vector<16xf32>
    %broadcast_in_dim3A_454 = vector.shape_cast %reduce_sum3A_453 : vector<16xf32> to vector<16x1xf32>
    %add3A_455 = arith.constant 9.99999997E-7 : f32
    %add3A_456 = vector.broadcast %add3A_455 : f32 to vector<16x1xf32>
    %add3A_457 = arith.addf %broadcast_in_dim3A_454, %add3A_456 : vector<16x1xf32>
    %div3A_458 = vector.broadcast %add3A_457 : vector<16x1xf32> to vector<16x32xf32>
    %div3A_459 = arith.divf %mul3A_451, %div3A_458 : vector<16x32xf32>
    %broadcast_in_dim3A_460 = vector.shape_cast %div3A_459 : vector<16x32xf32> to vector<16x32x1xf32>
    %mul3A_461 = vector.broadcast %broadcast_in_dim3A_460 : vector<16x32x1xf32> to vector<16x32x768xf32>
    %mul3A_462 = arith.mulf %mul3A_461, %get3A_5 : vector<16x32x768xf32>
    %reduce_sum3A_463 = arith.constant dense<0.000000e+00> : vector<16x768xf32>
    %reduce_sum3A_464 = vector.multi_reduction <add>, %mul3A_462, %reduce_sum3A_463 [1] : vector<16x32x768xf32> to vector<16x768xf32>
    %get3A_465 = arith.constant 1 : index
    %get3A_466 = arith.constant 0 : index
    %get3A_467 = arith.constant 0 : index
    %get3A_468 = vector.load %arg5[%get3A_465, %get3A_466, %get3A_467] : memref<2x768x512xf32, #tpu.memory_space<vmem>>, vector<1x768x512xf32>
    %get3A_469 = vector.shape_cast %get3A_468 : vector<1x768x512xf32> to vector<768x512xf32>
    %dot_general3A_470 = arith.constant dense<0.000000e+00> : vector<16x512xf32>
    %dot_general3A_471 = tpu.matmul %reduce_sum3A_464, %get3A_469, %dot_general3A_470 {dimension_numbers = #tpu.dot_dimension_numbers<[1], [0], [0], [1], [0, 0, 1, 1], [], []>, transpose_lhs_hint = false} : vector<16x768xf32>, vector<768x512xf32>, vector<16x512xf32> -> vector<16x512xf32>
    %get3A_472 = arith.constant 1 : index
    %get3A_473 = arith.constant 0 : index
    %get3A_474 = vector.load %arg6[%get3A_472, %get3A_473] : memref<2x512xf32, #tpu.memory_space<vmem>>, vector<1x512xf32>
    %get3A_475 = vector.shape_cast %get3A_474 : vector<1x512xf32> to vector<512xf32>
    %broadcast_in_dim3A_476 = vector.shape_cast %get3A_475 : vector<512xf32> to vector<1x512xf32>
    %add3A_477 = vector.broadcast %broadcast_in_dim3A_476 : vector<1x512xf32> to vector<16x512xf32>
    %add3A_478 = arith.addf %dot_general3A_471, %add3A_477 : vector<16x512xf32>
    %neg3A_479 = arith.constant 0.000000e+00 : f32
    %neg3A_480 = vector.broadcast %neg3A_479 : f32 to vector<16x512xf32>
    %neg3A_481 = arith.subf %neg3A_480, %add3A_478 : vector<16x512xf32>
    %exp3A_482 = math.exp %neg3A_481 : vector<16x512xf32>
    %add3A_483 = arith.constant 1.000000e+00 : f32
    %add3A_484 = vector.broadcast %add3A_483 : f32 to vector<16x512xf32>
    %add3A_485 = arith.addf %add3A_484, %exp3A_482 : vector<16x512xf32>
    %div3A_486 = arith.constant 1.000000e+00 : f32
    %div3A_487 = vector.broadcast %div3A_486 : f32 to vector<16x512xf32>
    %div3A_488 = arith.divf %div3A_487, %add3A_485 : vector<16x512xf32>
    %swap3A_489 = arith.constant 1 : index
    %swap3A_490 = arith.constant 2 : index
    %swap3A_491 = arith.constant 0 : index
    %swap3A_492 = arith.constant 0 : index
    %swap3A_493 = vector.load %arg9[%swap3A_489, %swap3A_490, %swap3A_491, %swap3A_492] : memref<2x3x16x512xf32, #tpu.memory_space<vmem>>, vector<1x1x16x512xf32>
    %swap3A_494 = vector.shape_cast %swap3A_493 : vector<1x1x16x512xf32> to vector<16x512xf32>
    %swap3A_495 = vector.shape_cast %div3A_488 : vector<16x512xf32> to vector<1x1x16x512xf32>
    tpu.vector_store %arg9[%swap3A_489, %swap3A_490, %swap3A_491, %swap3A_492], %swap3A_495 {strides = array<i32>} : memref<2x3x16x512xf32, #tpu.memory_space<vmem>>, vector<1x1x16x512xf32>,
    %get3A_496 = arith.constant 1 : index
    %get3A_497 = arith.constant 0 : index
    %get3A_498 = arith.constant 0 : index
    %get3A_499 = vector.load %arg7[%get3A_496, %get3A_497, %get3A_498] : memref<2x768x128xf32, #tpu.memory_space<vmem>>, vector<1x768x128xf32>
    %get3A_500 = vector.shape_cast %get3A_499 : vector<1x768x128xf32> to vector<768x128xf32>
    %dot_general3A_501 = arith.constant dense<0.000000e+00> : vector<16x128xf32>
    %dot_general3A_502 = tpu.matmul %get3A_1, %get3A_500, %dot_general3A_501 {dimension_numbers = #tpu.dot_dimension_numbers<[1], [0], [0], [1], [0, 0, 1, 1], [], []>, transpose_lhs_hint = false} : vector<16x768xf32>, vector<768x128xf32>, vector<16x128xf32> -> vector<16x128xf32>
    %get3A_503 = arith.constant 1 : index
    %get3A_504 = arith.constant 0 : index
    %get3A_505 = vector.load %arg8[%get3A_503, %get3A_504] : memref<2x128xf32, #tpu.memory_space<vmem>>, vector<1x128xf32>
    %get3A_506 = vector.shape_cast %get3A_505 : vector<1x128xf32> to vector<128xf32>
    %broadcast_in_dim3A_507 = vector.shape_cast %get3A_506 : vector<128xf32> to vector<1x128xf32>
    %add3A_508 = vector.broadcast %broadcast_in_dim3A_507 : vector<1x128xf32> to vector<16x128xf32>
    %add3A_509 = arith.addf %dot_general3A_502, %add3A_508 : vector<16x128xf32>
    %reduce_max3A_510 = arith.constant dense<0xFF800000> : vector<16xf32>
    %reduce_max3A_511 = vector.multi_reduction <maximumf>, %add3A_509, %reduce_max3A_510 [1] : vector<16x128xf32> to vector<16xf32>
    %broadcast_in_dim3A_512 = vector.shape_cast %reduce_max3A_511 : vector<16xf32> to vector<16x1xf32>
    %sub3A_513 = vector.broadcast %broadcast_in_dim3A_512 : vector<16x1xf32> to vector<16x128xf32>
    %sub3A_514 = arith.subf %add3A_509, %sub3A_513 : vector<16x128xf32>
    %exp3A_515 = math.exp %sub3A_514 : vector<16x128xf32>
    %reduce_sum3A_516 = arith.constant dense<0.000000e+00> : vector<16xf32>
    %reduce_sum3A_517 = vector.multi_reduction <add>, %exp3A_515, %reduce_sum3A_516 [1] : vector<16x128xf32> to vector<16xf32>
    %broadcast_in_dim3A_518 = vector.shape_cast %reduce_sum3A_517 : vector<16xf32> to vector<16x1xf32>
    %div3A_519 = vector.broadcast %broadcast_in_dim3A_518 : vector<16x1xf32> to vector<16x128xf32>
    %div3A_520 = arith.divf %exp3A_515, %div3A_519 : vector<16x128xf32>
    %swap3A_521 = arith.constant 1 : index
    %swap3A_522 = arith.constant 0 : index
    %swap3A_523 = arith.constant 0 : index
    %swap3A_524 = vector.load %arg10[%swap3A_521, %swap3A_522, %swap3A_523] : memref<2x16x128xf32, #tpu.memory_space<vmem>>, vector<1x16x128xf32>
    %swap3A_525 = vector.shape_cast %swap3A_524 : vector<1x16x128xf32> to vector<16x128xf32>
    %swap3A_526 = vector.shape_cast %div3A_520 : vector<16x128xf32> to vector<1x16x128xf32>
    tpu.vector_store %arg10[%swap3A_521, %swap3A_522, %swap3A_523], %swap3A_526 {strides = array<i32>} : memref<2x16x128xf32, #tpu.memory_space<vmem>>, vector<1x16x128xf32>,
    return
  }
}

module attributes {stable_mosaic.version = 14 : i64} {
  func.func @_combine_body(%arg0: i32, %arg1: memref<2x8x128xf32, #tpu.memory_space<vmem>>, %arg2: memref<2x3x8x50000xf32, #tpu.memory_space<vmem>>, %arg3: memref<8x50000xf32, #tpu.memory_space<vmem>>) attributes {dimension_semantics = [#tpu.dimension_semantics<arbitrary>], iteration_bounds = array<i64: 2>, scalar_prefetch = 0 : i64, scratch_operands = 0 : i64, tpu.core_type = #tpu.core_type<tc>, window_params = [{transform_indices = @transform_0, window_bounds = array<i64: 2, 8, 128>}, {transform_indices = @transform_1, window_bounds = array<i64: 2, 3, 8, 50000>}, {transform_indices = @transform_2, window_bounds = array<i64: 8, 50000>}]} {
    %get3A = arith.constant 0 : index
    %get3A_0 = arith.constant 0 : index
    %get3A_1 = arith.constant 0 : index
    %get3A_2 = vector.load %arg1[%get3A, %get3A_0, %get3A_1] : memref<2x8x128xf32, #tpu.memory_space<vmem>>, vector<2x8x128xf32>
    %get3A_3 = arith.constant 0 : index
    %get3A_4 = arith.constant 0 : index
    %get3A_5 = arith.constant 0 : index
    %get3A_6 = arith.constant 0 : index
    %get3A_7 = vector.load %arg2[%get3A_3, %get3A_4, %get3A_5, %get3A_6] : memref<2x3x8x50000xf32, #tpu.memory_space<vmem>>, vector<2x3x8x50000xf32>
    %broadcast_in_dim3A = arith.constant 0.000000e+00 : f32
    %broadcast_in_dim3A_8 = vector.broadcast %broadcast_in_dim3A : f32 to vector<8x50000xf32>
    %slice3A = vector.extract_strided_slice %get3A_2 {offsets = [0, 0, 0], sizes = [1, 8, 1], strides = [1, 1, 1]} : vector<2x8x128xf32> to vector<1x8x1xf32>
    %squeeze3A = vector.shape_cast %slice3A : vector<1x8x1xf32> to vector<8xf32>
    %broadcast_in_dim3A_9 = vector.shape_cast %squeeze3A : vector<8xf32> to vector<8x1xf32>
    %slice3A_10 = vector.extract_strided_slice %get3A_7 {offsets = [0, 0, 0, 0], sizes = [1, 1, 8, 50000], strides = [1, 1, 1, 1]} : vector<2x3x8x50000xf32> to vector<1x1x8x50000xf32>
    %squeeze3A_11 = vector.shape_cast %slice3A_10 : vector<1x1x8x50000xf32> to vector<8x50000xf32>
    %mul3A = vector.broadcast %broadcast_in_dim3A_9 : vector<8x1xf32> to vector<8x50000xf32>
    %mul3A_12 = arith.mulf %mul3A, %squeeze3A_11 : vector<8x50000xf32>
    %add3A = arith.addf %broadcast_in_dim3A_8, %mul3A_12 : vector<8x50000xf32>
    %slice3A_13 = vector.extract_strided_slice %get3A_2 {offsets = [0, 0, 1], sizes = [1, 8, 1], strides = [1, 1, 1]} : vector<2x8x128xf32> to vector<1x8x1xf32>
    %squeeze3A_14 = vector.shape_cast %slice3A_13 : vector<1x8x1xf32> to vector<8xf32>
    %broadcast_in_dim3A_15 = vector.shape_cast %squeeze3A_14 : vector<8xf32> to vector<8x1xf32>
    %slice3A_16 = vector.extract_strided_slice %get3A_7 {offsets = [0, 1, 0, 0], sizes = [1, 1, 8, 50000], strides = [1, 1, 1, 1]} : vector<2x3x8x50000xf32> to vector<1x1x8x50000xf32>
    %squeeze3A_17 = vector.shape_cast %slice3A_16 : vector<1x1x8x50000xf32> to vector<8x50000xf32>
    %mul3A_18 = vector.broadcast %broadcast_in_dim3A_15 : vector<8x1xf32> to vector<8x50000xf32>
    %mul3A_19 = arith.mulf %mul3A_18, %squeeze3A_17 : vector<8x50000xf32>
    %add3A_20 = arith.addf %add3A, %mul3A_19 : vector<8x50000xf32>
    %slice3A_21 = vector.extract_strided_slice %get3A_2 {offsets = [0, 0, 2], sizes = [1, 8, 1], strides = [1, 1, 1]} : vector<2x8x128xf32> to vector<1x8x1xf32>
    %squeeze3A_22 = vector.shape_cast %slice3A_21 : vector<1x8x1xf32> to vector<8xf32>
    %broadcast_in_dim3A_23 = vector.shape_cast %squeeze3A_22 : vector<8xf32> to vector<8x1xf32>
    %slice3A_24 = vector.extract_strided_slice %get3A_7 {offsets = [0, 2, 0, 0], sizes = [1, 1, 8, 50000], strides = [1, 1, 1, 1]} : vector<2x3x8x50000xf32> to vector<1x1x8x50000xf32>
    %squeeze3A_25 = vector.shape_cast %slice3A_24 : vector<1x1x8x50000xf32> to vector<8x50000xf32>
    %mul3A_26 = vector.broadcast %broadcast_in_dim3A_23 : vector<8x1xf32> to vector<8x50000xf32>
    %mul3A_27 = arith.mulf %mul3A_26, %squeeze3A_25 : vector<8x50000xf32>
    %add3A_28 = arith.addf %add3A_20, %mul3A_27 : vector<8x50000xf32>
    %broadcast_in_dim3A_29 = arith.constant 0.000000e+00 : f32
    %broadcast_in_dim3A_30 = vector.broadcast %broadcast_in_dim3A_29 : f32 to vector<8x50000xf32>
    %slice3A_31 = vector.extract_strided_slice %get3A_2 {offsets = [1, 0, 0], sizes = [1, 8, 1], strides = [1, 1, 1]} : vector<2x8x128xf32> to vector<1x8x1xf32>
    %squeeze3A_32 = vector.shape_cast %slice3A_31 : vector<1x8x1xf32> to vector<8xf32>
    %broadcast_in_dim3A_33 = vector.shape_cast %squeeze3A_32 : vector<8xf32> to vector<8x1xf32>
    %slice3A_34 = vector.extract_strided_slice %get3A_7 {offsets = [1, 0, 0, 0], sizes = [1, 1, 8, 50000], strides = [1, 1, 1, 1]} : vector<2x3x8x50000xf32> to vector<1x1x8x50000xf32>
    %squeeze3A_35 = vector.shape_cast %slice3A_34 : vector<1x1x8x50000xf32> to vector<8x50000xf32>
    %mul3A_36 = vector.broadcast %broadcast_in_dim3A_33 : vector<8x1xf32> to vector<8x50000xf32>
    %mul3A_37 = arith.mulf %mul3A_36, %squeeze3A_35 : vector<8x50000xf32>
    %add3A_38 = arith.addf %broadcast_in_dim3A_30, %mul3A_37 : vector<8x50000xf32>
    %slice3A_39 = vector.extract_strided_slice %get3A_2 {offsets = [1, 0, 1], sizes = [1, 8, 1], strides = [1, 1, 1]} : vector<2x8x128xf32> to vector<1x8x1xf32>
    %squeeze3A_40 = vector.shape_cast %slice3A_39 : vector<1x8x1xf32> to vector<8xf32>
    %broadcast_in_dim3A_41 = vector.shape_cast %squeeze3A_40 : vector<8xf32> to vector<8x1xf32>
    %slice3A_42 = vector.extract_strided_slice %get3A_7 {offsets = [1, 1, 0, 0], sizes = [1, 1, 8, 50000], strides = [1, 1, 1, 1]} : vector<2x3x8x50000xf32> to vector<1x1x8x50000xf32>
    %squeeze3A_43 = vector.shape_cast %slice3A_42 : vector<1x1x8x50000xf32> to vector<8x50000xf32>
    %mul3A_44 = vector.broadcast %broadcast_in_dim3A_41 : vector<8x1xf32> to vector<8x50000xf32>
    %mul3A_45 = arith.mulf %mul3A_44, %squeeze3A_43 : vector<8x50000xf32>
    %add3A_46 = arith.addf %add3A_38, %mul3A_45 : vector<8x50000xf32>
    %slice3A_47 = vector.extract_strided_slice %get3A_2 {offsets = [1, 0, 2], sizes = [1, 8, 1], strides = [1, 1, 1]} : vector<2x8x128xf32> to vector<1x8x1xf32>
    %squeeze3A_48 = vector.shape_cast %slice3A_47 : vector<1x8x1xf32> to vector<8xf32>
    %broadcast_in_dim3A_49 = vector.shape_cast %squeeze3A_48 : vector<8xf32> to vector<8x1xf32>
    %slice3A_50 = vector.extract_strided_slice %get3A_7 {offsets = [1, 2, 0, 0], sizes = [1, 1, 8, 50000], strides = [1, 1, 1, 1]} : vector<2x3x8x50000xf32> to vector<1x1x8x50000xf32>
    %squeeze3A_51 = vector.shape_cast %slice3A_50 : vector<1x1x8x50000xf32> to vector<8x50000xf32>
    %mul3A_52 = vector.broadcast %broadcast_in_dim3A_49 : vector<8x1xf32> to vector<8x50000xf32>
    %mul3A_53 = arith.mulf %mul3A_52, %squeeze3A_51 : vector<8x50000xf32>
    %add3A_54 = arith.addf %add3A_46, %mul3A_53 : vector<8x50000xf32>
    %mul3A_55 = arith.mulf %add3A_28, %add3A_54 : vector<8x50000xf32>
    %swap3A = arith.constant 0 : index
    %swap3A_56 = arith.constant 0 : index
    %swap3A_57 = vector.load %arg3[%swap3A, %swap3A_56] : memref<8x50000xf32, #tpu.memory_space<vmem>>, vector<8x50000xf32>
    tpu.vector_store %arg3[%swap3A, %swap3A_56], %mul3A_55 {strides = array<i32>} : memref<8x50000xf32, #tpu.memory_space<vmem>>, vector<8x50000xf32>,
    return
  }
  func.func @transform_0(%arg0: i32) -> (i32, i32, i32) {
    %c0_i32 = arith.constant 0 : i32
    %c0_i32_0 = arith.constant 0 : i32
    %c0_i32_1 = arith.constant 0 : i32
    return %c0_i32, %arg0, %c0_i32_0 : i32, i32, i32
  }
  func.func @transform_1(%arg0: i32) -> (i32, i32, i32, i32) {
    %c0_i32 = arith.constant 0 : i32
    %c0_i32_0 = arith.constant 0 : i32
    %c0_i32_1 = arith.constant 0 : i32
    %c0_i32_2 = arith.constant 0 : i32
    return %c0_i32, %c0_i32_0, %arg0, %c0_i32_1 : i32, i32, i32, i32
  }
  func.func @transform_2(%arg0: i32) -> (i32, i32) {
    %c0_i32 = arith.constant 0 : i32
    %c0_i32_0 = arith.constant 0 : i32
    return %arg0, %c0_i32 : i32, i32
  }
}

</mosaic_0001>

<sc_bundles>
// kernel: kernel.5.cloned.1.call-start
scs
__scs_entry_jumppad:
0x0: {  	(pc) =	sbr.rel $0x88, $3  }
0x1: {  	(tag) =	ssettag $0x0;
	lr =	simm.s32 $0x1  }
0x2: {  	[smem:$0x3F96] =	sst lr;
	_ =	strace $0xD0000000  }
0x3: {  	_ = 	snop  }
0x4: {  	_ = 	snop  }
0x5: {  	_ = 	snop  }
0x6: {  	_ = 	snop  }
0x7: {  	_ = 	snop  }
__scs_overlays_trampoline_lowered:
0x8: {  	[smem:$0x3FA5] =	sst s0  }
0x9: {  	[smem:$0x3FA6] =	sst s1  }
0xa: {  	[smem:$0x3FA7] =	sst s2  }
0xb: {  	[smem:$0x3FA8] =	sst s3  }
0xc: {  	[smem:$0x3FA9] =	sst s4  }
0xd: {  	[smem:$0x3FAA] =	sst s5  }
0xe: {  	[smem:$0x3FAB] =	sst s6  }
0xf: {  	[smem:$0x3FAC] =	sst s7  }
0x10: {  	[smem:$0x3FAD] =	sst s8  }
0x11: {  	[smem:$0x3FAE] =	sst s9;
	s0 =	simm.s32 @!p0 $0x0  }
0x12: {  	s1 =	sld [smem:$0x3F94];
	s0 =	simm.s32 @p0 $0x1  }
0x13: {  	[smem:$0x3FAF] =	sst s0;
	s0 =	simm.s32 @!p1 $0x0  }
0x14: {  	s2 =	sld [smem:$0x3F93];
	s0 =	simm.s32 @p1 $0x1  }
0x15: {  	[smem:$0x3FB0] =	sst s0;
	s0 =	simm.s32 @!p2 $0x0  }
0x16: {  	s3 =	sld [smem:$0x3FDB];
	s0 =	simm.s32 @p2 $0x1  }
0x17: {  	s4 =	simm.s32 $0x1BF5;
	[smem:$0x3FB2] =	sst s0  }
0x18: {  	s0 =	sld [smem:$0x3F95];
	_ =	swait.ge [sflag:s4], $0x0  }
0x19: {  	s7 =	sld [smem:$0x3F96]  }
0x1a: {  	s8 =	sadd.s32 $0xFFFFE003, lr  }
0x1b: {  	s9 =	sadd.s32 $0xFFFFFEF7, lr;
	s5 =	simm.s32 $0xFFFFFFFF;
	p2 =	slt.u32 s8, $0xFFFFF086  }
0x1c: {  	p1 =	slt.u32 s9, $0xF7A;
	s5 =	simm.s32 @!p2 $0x0  }
0x1d: {  	s5 =	simm.s32 @p1 $0x1;
	p0 =	seq.s32 s7, s2  }
0x1e: {  	s7 =	smul.u32 @!p0 $0xF7A, s2;
	p2 =	seq.s32 @!p0 s5, $0x0  }
0x1f: {  	s9 =	smul.u32 $0xF7A, s1;
	s8 =	simm.s32 @!p0 $0x1BF5;
	p2 =	por !p2, p0  }
0x20: {  	[sflag:s8] =	ssyncset.s32 @!p0 $0xFFFFF086;
	s6 =	sadd.s32 @!p0 s3, s7;
	s7 =	simm.s32 @!p0 $0x108  }
0x21: {  	s3 =	sadd.s32 s3, s9;
	s6 =	sadd.s32 @!p0 $0x88, s6;
	s7 =	simm.s32 @p2 $0x1082  }
0x22: {  	[simem:s7], [sflag:s8] =	dma.local @!p0 [hbm:s6], $0xF7A  }
0x23: {  	s9 =	sor.u32 $0xD0000000, s2;
	s6 =	simm.s32 $0x108;
	_ =	swait.ge @!p0 [sflag:s8], $0x0  }
0x24: {  	s3 =	sadd.s32 $0x88, s3;
	s6 =	simm.s32 @!p1 $0x1082;
	[sflag:s4] =	ssyncset.s32 $0xFFFFF086  }
0x25: {  	[simem:s6], [sflag:s4] =	dma.local [hbm:s3], $0xF7A  }
0x26: {  	[smem:$0x3F96] =	sst s1;
	(tag) =	ssettag s2;
	_ =	strace s9  }
0x27: {  	s1 =	sld [smem:$0x3FA6]  }
0x28: {  	s2 =	sld [smem:$0x3FA7]  }
0x29: {  	s4 =	sld [smem:$0x3FA9]  }
0x2a: {  	p0 =	seq.s32 s5, $0x0;
	s5 =	sld [smem:$0x3FAA]  }
0x2b: {  	s6 =	sld [smem:$0x3FAB]  }
0x2c: {  	s7 =	sld [smem:$0x3FAC]  }
0x2d: {  	s3 =	simm.s32 $0x108;
	s8 =	sld [smem:$0x3FAD]  }
0x2e: {  	s3 =	simm.s32 @!p0 $0x1082;
	s9 =	sld [smem:$0x3FAE]  }
0x2f: {  	lr =	sadd.s32 s0, s3;
	s0 =	sld [smem:$0x3FA5]  }
0x30: {  	s3 =	sld [smem:$0x3FA8]  }
0x31: {  	[smem:$0x3FB1] =	sst s10  }
0x32: {  	s10 =	sld [smem:$0x3FAF];
	_ =	sdelay $0x3  }
0x33: {  	p0 =	seq.s32 s10, $0x1;
	s10 =	sld [smem:$0x3FB1];
	_ =	sdelay $0x3  }
0x34: {  	[smem:$0x3FB1] =	sst s10  }
0x35: {  	s10 =	sld [smem:$0x3FB0];
	_ =	sdelay $0x3  }
0x36: {  	p1 =	seq.s32 s10, $0x1;
	s10 =	sld [smem:$0x3FB1];
	_ =	sdelay $0x3  }
0x37: {  	[smem:$0x3FB1] =	sst s10  }
0x38: {  	s10 =	sld [smem:$0x3FB2]  }
0x39: {  	_ = 	snop;
	(pc) =	sbr.ind lr, $3  }
0x3a: {  	_ = 	snop  }
0x3b: {  	_ = 	snop  }
0x3c: {  	p2 =	seq.s32 s10, $0x1;
	s10 =	sld [smem:$0x3FB1]  }
0x3d: {  	_ =	shalt  }
0x3e: {  	_ =	shalt  }
0x3f: {  	_ =	shalt  }
0x40: {  	_ =	shalt  }
0x41: {  	_ =	shalt  }
0x42: {  	_ =	shalt  }
0x43: {  	_ =	shalt  }
0x44: {  	_ =	shalt  }
0x45: {  	_ =	shalt  }
0x46: {  	_ =	shalt  }
0x47: {  	_ =	shalt  }
0x48: {  	_ =	shalt  }
0x49: {  	_ =	shalt  }
0x4a: {  	_ =	shalt  }
0x4b: {  	_ =	shalt  }
0x4c: {  	_ =	shalt  }
0x4d: {  	_ =	shalt  }
0x4e: {  	_ =	shalt  }
0x4f: {  	_ =	shalt  }
0x50: {  	_ =	shalt  }
0x51: {  	_ =	shalt  }
0x52: {  	_ =	shalt  }
0x53: {  	_ =	shalt  }
0x54: {  	_ =	shalt  }
0x55: {  	_ =	shalt  }
0x56: {  	_ =	shalt  }
0x57: {  	_ =	shalt  }
0x58: {  	_ =	shalt  }
0x59: {  	_ =	shalt  }
0x5a: {  	_ =	shalt  }
0x5b: {  	_ =	shalt  }
0x5c: {  	_ =	shalt  }
0x5d: {  	_ =	shalt  }
0x5e: {  	_ =	shalt  }
0x5f: {  	_ =	shalt  }
0x60: {  	_ =	shalt  }
0x61: {  	_ =	shalt  }
0x62: {  	_ =	shalt  }
0x63: {  	_ =	shalt  }
0x64: {  	_ =	shalt  }
0x65: {  	_ =	shalt  }
0x66: {  	_ =	shalt  }
0x67: {  	_ =	shalt  }
0x68: {  	_ =	shalt  }
0x69: {  	_ =	shalt  }
0x6a: {  	_ =	shalt  }
0x6b: {  	_ =	shalt  }
0x6c: {  	_ =	shalt  }
0x6d: {  	_ =	shalt  }
0x6e: {  	_ =	shalt  }
0x6f: {  	_ =	shalt  }
0x70: {  	_ =	shalt  }
0x71: {  	_ =	shalt  }
0x72: {  	_ =	shalt  }
0x73: {  	_ =	shalt  }
0x74: {  	_ =	shalt  }
0x75: {  	_ =	shalt  }
0x76: {  	_ =	shalt  }
0x77: {  	_ =	shalt  }
0x78: {  	_ =	shalt  }
0x79: {  	_ =	shalt  }
0x7a: {  	_ =	shalt  }
0x7b: {  	_ =	shalt  }
0x7c: {  	_ =	shalt  }
0x7d: {  	_ =	shalt  }
0x7e: {  	_ =	shalt  }
0x7f: {  	_ =	shalt  }
0x80: {  	_ =	shalt  }
0x81: {  	_ =	shalt  }
0x82: {  	_ =	shalt  }
0x83: {  	_ =	shalt  }
0x84: {  	_ =	shalt  }
0x85: {  	_ =	shalt  }
0x86: {  	_ =	shalt  }
0x87: {  	_ =	shalt  }
.Lfunc_end0:
.L_simem_size_0:
called_computation_lowered:
.L_overlay_start_0:
0x88: {  	s2 =	sld [smem:$0x3FD9]  }
0x89: {  	s3 =	sld [smem:$0x3FFE];
	_ =	sdelay $0x1  }
0x8a: {  	s1 =	srdreg.scid  }
0x8b: {  	s0 =	sand.u32 $0x1, s1  }
0x8c: {  	s17 =	sshll.u32 s0, $0xA;
	s2 =	sadd.s32 s3, s2  }
0x8d: {  	s2 =	sadd.s32 s2, s17  }
0x8e: {  	[smem:$0x3FBD] =	sst s2  }
0x8f: {  	_ = 	snop  }
0x90: {  	s2 =	sld [smem:$0x3FD0];
	(tm) =	ssettm $0x1  }
0x91: {  	s18 =	sld [smem:$0x3FFB];
	_ =	sdelay $0x3  }
0x92: {  	_ =	strace s18  }
0x93: {  	s3 =	sld [smem:$0x3FFC];
	_ =	sdelay $0x3  }
0x94: {  	_ =	strace s3  }
0x95: {  	s3 =	sld [smem:$0x3FFD];
	_ =	sdelay $0x3  }
0x96: {  	_ =	strace s3  }
0x97: {  	_ =	strace $0x8FFFFFFF  }
0x98: {  	s19 =	sld [smem:$0x3FDB];
	_ =	sdelay $0x1  }
0x99: {  	s4 =	simm.s32 $_scs_section_size  }
0x9a: {  	s5 =	simm.s32 $_size__tile_overlayer_lowered;
	s6 =	simm.s32 $_tile_overlayer_lowered  }
0x9b: {  	s22 =	simm.s32 $0x1BFF;
	s21 =	sshll.u32 s6, $0x1;
	s3 =	sadd.s32 s4, s19  }
0x9c: {  	s7 =	simm.s32 $0x0;
	s20 =	sshll.u32 s5, $0x1;
	s5 =	sadd.s32 s21, s3  }
0x9d: {  	[timem:s7], [sflag:s22] =	dma.local [hbm:s5], s20  }
0x9e: {  	_ =	swait.ge [sflag:s22], s20  }
0x9f: {  	s4 =	ssub.s32 $0x0, s20;
	[sflag:s22] =	ssyncset.done $0x0  }
0xa0: {  	[sflag:s22] =	ssyncadd.s32 s4;
	_ =	sdelay $0x1  }
0xa1: {  	s23 =	simm.s32 $0x1B8B  }
0xa2: {  	_ =	swait.ge [sflag:s23], $0x1  }
0xa3: {  	[sflag:s23] =	ssyncset.done $0x0  }
0xa4: {  	s25 =	simm.s32 $0x1B8E;
	s24 =	sld [smem:$0x3FFE];
	[sflag:s23] =	ssyncadd.s32 $0xFFFFFFFF  }
0xa5: {  	s26 =	simm.s32 $execute0_lowered;
	[smem:$0x3FD2] =	sst s25  }
0xa6: {  	s5 =	sshll.u32 s26, $0x1;
	_ =	strace $0x80000046;
	[dreg:$0x1] =	wrdreg $0xFFFFFFFF  }
0xa7: {  	s28 =	simm.s32 $_size_execute0_lowered;
	s3 =	sadd.s32 s3, s5;
	[dreg:$0x0] =	wrdreg $0x0  }
0xa8: {  	s5 =	sshll.u32 s28, $0x1;
	[dreg:$0x2] =	wrdreg s3  }
0xa9: {  	[dreg:$0x3] =	wrdreg s5  }
0xaa: {  	[dreg:$0x4] =	wrdreg $0xC0  }
0xab: {  	_ =	task [dreg:s7], $0x5FFFF  }
0xac: {  	[dreg:$0x1] =	wrdreg $0xFFFFFFFF  }
0xad: {  	[dreg:$0x0] =	wrdreg $0x60  }
0xae: {  	[dreg:$0x2] =	wrdreg s2  }
0xaf: {  	[dreg:$0x3] =	wrdreg s24  }
0xb0: {  	[dreg:$0x4] =	wrdreg $0x9  }
0xb1: {  	_ =	task.clear_ibuf [dreg:s7], $0x5FFFF;
	_ =	strace $0x90000046  }
0xb2: {  	s29 =	simm.s32 $0x9;
	_ =	strace $0x80000048  }
0xb3: {  	_ =	swait.ge [sflag:s29], $0x1  }
0xb4: {  	[sflag:s29] =	ssyncadd.s32 $0xFFFFFFFF  }
0xb5: {  	_ =	strace $0x90000048  }
0xb6: {  	_ =	sfence  }
0xb7: {  	s30 =	sld [smem:$0x0];
	_ =	sdelay $0x2  }
0xb8: {  	s31 =	sshll.u32 s1, $0xD;
	s1 =	sshrl.u32 s1, $0x2  }
0xb9: {  	s3 =	sand.u32 $0x4000, s31;
	s1 =	sadd.s32 s1, s30  }
0xba: {  	s0 =	sor.u32 s3, s0;
	s1 =	sshll.u32 s1, $0x11  }
0xbb: {  	s0 =	sor.u32 s1, s0  }
0xbc: {  	s0 =	sadd.s32 $0x8F2B, s0  }
0xbd: {  	[sflag:s0] =	ssyncadd.remote.s32 $0x1  }
0xbe: {  	_ =	sfence.sel $0xFFFF  }
0xbf: {  	[dreg:$0x0] =	wrdreg $0xFFFFFFFF;
	(pc) =	sbr.abs _section_cstart, $3  }
0xc0: {  	[dreg:$0x1] =	wrdreg $0xFFFFFFFF  }
0xc1: {  	_ =	task.clear_ibuf [dreg:s7], $0x2FFFF;
	_ =	strace $0x9FFFFFFF  }
0xc2: {  	(tm) =	ssettm $0x7FFFFFFF  }
0xc3: {  	_ =	shalt  }
tec
execute0_lowered:
.L_overlay_start_1:
0x0: {  	(tag) =	ssettag $0x1  }
0x1: {  	s3 =	rddreg [dreg:$0x0]  }
0x2: {  	s0 =	srdreg.scid;
	s4 =	rddreg [dreg:$0x1];
	s2 =	simm.s32 $0x0  }
0x3: {  	s1 =	stileid.u32;
	s18 =	simm.s32 $0x18700;
	s19 =	simm.s32 $0x18900  }
0x4: {  	s20 =	simm.s32 $0x19900;
	s21 =	simm.s32 $0x19100;
	s22 =	simm.s32 $0x1A100  }
0x5: {  	s23 =	simm.s32 $0x1;
	s24 =	simm.s32 $0x2;
	s25 =	simm.s32 $0xC380  }
0x6: {  	s26 =	simm.s32 $0x3;
	s28 =	simm.s32 $0x0;
	s8 =	smul.u32 $0x186A0, s1  }
0x7: {  	s5 =	sand.u32 $0x1, s0;
	[smem:$0x7FF] =	sst s2;
	s9 =	smul.u32 $0x186A, s1  }
0x8: {  	s16 =	sadd.s32 $0x33A00, s4;
	s15 =	sadd.s32 $0x2C00, s4;
	s17 =	smul.u32 $0x30D4, s1  }
0x9: {  	s6 =	smul.u32 $0x30, s5;
	_ =	strace $0x80000047;
	s5 =	ssub.s32 $0x2, s5  }
0xa: {  	s30 =	sshrl.u32 s5, $0x1;
	s31 =	sshrl.u32 s8, $0x3;
	s3 =	sadd.s32 s3, s9  }
0xb: {  	s6 =	sor.u32 s1, s6;
	s14 =	ssub.s32 s5, s30;
	s8 =	sadd.s32 $0xFA, s31  }
0xc: {  	s5 =	sadd.s32 s16, s31;
	s7 =	smul.u32 $0x186A, s6;
	s6 =	sshll.u32 s6, $0x6  }
0xd: {  	s14 =	smax.u32 s14, $0x1;
	s12 =	sadd.s32 s6, s4;
	s6 =	sadd.s32 s15, s31  }
0xe: {  	s13 =	sadd.s32 s7, s4;
	s4 =	sadd.s32 $0x1400, s12;
	s7 =	sadd.s32 s16, s8  }
0xf: {  	s8 =	sadd.s32 s15, s8;
	s10 =	sadd.s32 $0x1800, s12;
	s12 =	sadd.s32 $0x1C00, s12  }
0x10: {  	s15 =	sadd.s32 s17, s15;
	s16 =	sadd.s32 s17, s16;
	s17 =	simm.s32 $0x4  }
0x11: {  	s9 =	sadd.s32 $0x64800, s13;
	s11 =	sadd.s32 $0x7CEA0, s13;
	s13 =	sadd.s32 $0x95540, s13  }
.LBB2_1:
0x12: {  	[tilespmem:s2], [sflag:$0x4] =	stream.linear.gather [hbm4b:s3+s2], $0xC350, $0x38;
	[tilespmem:$0x1A900] =	vst v63  }
0x13: {  	_ =	swait.ge [sflag:s17], $0xC350  }
0x14: {  	[sflag:s17] =	ssyncset.done $0x0  }
0x15: {  	[sflag:s17] =	ssyncadd.s32 $0xFFFF3CB0  }
0x16: {  	[tilespmem:s18], [sflag:$0x4] =	stream.linear.gather [hbm4b:s4+s2], $0x200, $0x38;
	[tilespmem:$0x1A900] =	vst v63  }
0x17: {  	_ =	swait.ge [sflag:s17], $0x200  }
0x18: {  	[sflag:s17] =	ssyncset.done $0x0  }
0x19: {  	[sflag:s17] =	ssyncadd.s32 $0xFFFFFE00  }
0x1a: {  	[tilespmem:s19], [sflag:$0x1] =	stream.linear.gather [hbm4b:s5+s2], $0x7D0, $0x38;
	[tilespmem:$0x1A900] =	vst v63  }
0x1b: {  	_ = 	snop  }
0x1c: {  	[tilespmem:s20], [sflag:$0x1] =	stream.linear.gather [hbm4b:s6+s2], $0x7D0, $0x38;
	[tilespmem:$0x1A900] =	vst v63  }
0x1d: {  	_ = 	snop  }
0x1e: {  	[tilespmem:s21], [sflag:$0x2] =	stream.linear.gather [hbm4b:s7+s2], $0x7D0, $0x38;
	[tilespmem:$0x1A900] =	vst v63  }
0x1f: {  	_ = 	snop  }
0x20: {  	[tilespmem:s22], [sflag:$0x2] =	stream.linear.gather [hbm4b:s8+s2], $0x7D0, $0x38;
	[tilespmem:$0x1A900] =	vst v63  }
0x21: {  	_ =	swait.ge [sflag:s23], $0x7D0  }
0x22: {  	[sflag:s23] =	ssyncset.done $0x0  }
0x23: {  	[sflag:s23] =	ssyncadd.s32 $0xFFFFF830  }
0x24: {  	_ =	swait.ge [sflag:s23], $0x7D0  }
0x25: {  	s29 =	sadd.s32 $0xFFFFD120, s16;
	[sflag:s23] =	ssyncset.done $0x0  }
0x26: {  	s31 =	sadd.s32 $0xFFFFD120, s15;
	s30 =	sadd.s32 $0x30D4, s29;
	[sflag:s23] =	ssyncadd.s32 $0xFFFFF830  }
0x27: {  	[tilespmem:s19], [sflag:$0x1] =	stream.linear.gather [hbm4b:s30+s2], $0x7D0, $0x38;
	[tilespmem:$0x1A900] =	vst v63  }
0x28: {  	s30 =	sadd.s32 $0x30D4, s31  }
0x29: {  	[tilespmem:s20], [sflag:$0x1] =	stream.linear.gather [hbm4b:s30+s2], $0x7D0, $0x38;
	[tilespmem:$0x1A900] =	vst v63  }
0x2a: {  	_ =	swait.ge [sflag:s24], $0x7D0  }
0x2b: {  	[sflag:s24] =	ssyncset.done $0x0  }
0x2c: {  	[sflag:s24] =	ssyncadd.s32 $0xFFFFF830  }
0x2d: {  	_ =	swait.ge [sflag:s24], $0x7D0  }
0x2e: {  	[sflag:s24] =	ssyncset.done $0x0  }
0x2f: {  	s29 =	sadd.s32 $0x31CE, s29;
	[sflag:s24] =	ssyncadd.s32 $0xFFFFF830  }
0x30: {  	[tilespmem:s21], [sflag:$0x2] =	stream.linear.gather [hbm4b:s29+s2], $0x7D0, $0x38;
	[tilespmem:$0x1A900] =	vst v63  }
0x31: {  	s30 =	sadd.s32 $0x31CE, s31;
	s29 =	simm.s32 $0xFFFFD314  }
.LBB2_2:
0x32: {  	[tilespmem:s22], [sflag:$0x2] =	stream.linear.gather [hbm4b:s30+s2], $0x7D0, $0x38;
	[tilespmem:$0x1A900] =	vst v63  }
0x33: {  	s30 =	smov.u32 s29  }
0x34: {  	p0 =	sne.s32 s29, $0xFFFFFE0C;
	s29 =	sadd.s32 $0x1F4, s29;
	_ =	swait.ge [sflag:s23], $0x7D0  }
0x35: {  	[sflag:s23] =	ssyncset.done $0x0  }
0x36: {  	[sflag:s23] =	ssyncadd.s32 $0xFFFFF830  }
0x37: {  	_ =	swait.ge [sflag:s23], $0x7D0  }
0x38: {  	s31 =	sadd.s32 s30, s16;
	[sflag:s23] =	ssyncset.done $0x0  }
0x39: {  	s30 =	sadd.s32 s30, s15;
	s0 =	sadd.s32 $0x30D4, s31;
	[sflag:s23] =	ssyncadd.s32 $0xFFFFF830  }
0x3a: {  	[tilespmem:s19], [sflag:$0x1] =	stream.linear.gather [hbm4b:s0+s2], $0x7D0, $0x38;
	[tilespmem:$0x1A900] =	vst v63  }
0x3b: {  	s0 =	sadd.s32 $0x30D4, s30  }
0x3c: {  	[tilespmem:s20], [sflag:$0x1] =	stream.linear.gather [hbm4b:s0+s2], $0x7D0, $0x38;
	[tilespmem:$0x1A900] =	vst v63  }
0x3d: {  	_ =	swait.ge [sflag:s24], $0x7D0  }
0x3e: {  	[sflag:s24] =	ssyncset.done $0x0  }
0x3f: {  	[sflag:s24] =	ssyncadd.s32 $0xFFFFF830  }
.Ltmp0:
0x40: {  	_ =	swait.ge [sflag:s24], $0x7D0;
	(pc) =	sbr.rel @p0 .LBB2_2-.Ltmp0, $4  }
0x41: {  	[sflag:s24] =	ssyncset.done $0x0  }
0x42: {  	s0 =	sadd.s32 $0x31CE, s31;
	[sflag:s24] =	ssyncadd.s32 $0xFFFFF830  }
0x43: {  	[tilespmem:s21], [sflag:$0x2] =	stream.linear.gather [hbm4b:s0+s2], $0x7D0, $0x38;
	[tilespmem:$0x1A900] =	vst v63  }
0x44: {  	s30 =	sadd.s32 $0x31CE, s30  }
0x45: {  	[tilespmem:s22], [sflag:$0x2] =	stream.linear.gather [hbm4b:s30+s2], $0x7D0, $0x38;
	[tilespmem:$0x1A900] =	vst v63  }
0x46: {  	_ =	swait.ge [sflag:s23], $0x7D0  }
0x47: {  	[sflag:s23] =	ssyncset.done $0x0  }
0x48: {  	[sflag:s23] =	ssyncadd.s32 $0xFFFFF830  }
0x49: {  	_ =	swait.ge [sflag:s23], $0x7D0  }
0x4a: {  	[sflag:s23] =	ssyncset.done $0x0  }
0x4b: {  	[sflag:s23] =	ssyncadd.s32 $0xFFFFF830  }
0x4c: {  	_ =	swait.ge [sflag:s24], $0x7D0  }
0x4d: {  	[sflag:s24] =	ssyncset.done $0x0  }
0x4e: {  	[sflag:s24] =	ssyncadd.s32 $0xFFFFF830  }
0x4f: {  	_ =	swait.ge [sflag:s24], $0x7D0  }
0x50: {  	[sflag:s24] =	ssyncset.done $0x0  }
0x51: {  	[sflag:s24] =	ssyncadd.s32 $0xFFFFF830  }
0x52: {  	[hbm4b:s9+s2] =	stream.linear.scatter [tilespmem:s25], [sflag:$0x3], $0xC350, $0x38;
	[tilespmem:$0x1A900] =	vst v63  }
0x53: {  	_ = 	snop  }
0x54: {  	[tilespmem:s18], [sflag:$0x4] =	stream.linear.gather [hbm4b:s10+s2], $0x200, $0x38;
	[tilespmem:$0x1A900] =	vst v63  }
0x55: {  	_ =	swait.ge [sflag:s17], $0x200  }
0x56: {  	[sflag:s17] =	ssyncset.done $0x0  }
0x57: {  	[sflag:s17] =	ssyncadd.s32 $0xFFFFFE00  }
0x58: {  	[tilespmem:s19], [sflag:$0x1] =	stream.linear.gather [hbm4b:s5+s2], $0x7D0, $0x38;
	[tilespmem:$0x1A900] =	vst v63  }
0x59: {  	_ = 	snop  }
0x5a: {  	[tilespmem:s20], [sflag:$0x1] =	stream.linear.gather [hbm4b:s6+s2], $0x7D0, $0x38;
	[tilespmem:$0x1A900] =	vst v63  }
0x5b: {  	_ = 	snop  }
0x5c: {  	[tilespmem:s21], [sflag:$0x2] =	stream.linear.gather [hbm4b:s7+s2], $0x7D0, $0x38;
	[tilespmem:$0x1A900] =	vst v63  }
0x5d: {  	_ = 	snop  }
0x5e: {  	[tilespmem:s22], [sflag:$0x2] =	stream.linear.gather [hbm4b:s8+s2], $0x7D0, $0x38;
	[tilespmem:$0x1A900] =	vst v63  }
0x5f: {  	_ =	swait.ge [sflag:s23], $0x7D0  }
0x60: {  	[sflag:s23] =	ssyncset.done $0x0  }
0x61: {  	[sflag:s23] =	ssyncadd.s32 $0xFFFFF830  }
0x62: {  	_ =	swait.ge [sflag:s23], $0x7D0  }
0x63: {  	s0 =	sadd.s32 $0xFFFFD120, s16;
	[sflag:s23] =	ssyncset.done $0x0  }
0x64: {  	s30 =	sadd.s32 $0xFFFFD120, s15;
	s29 =	sadd.s32 $0x30D4, s0;
	[sflag:s23] =	ssyncadd.s32 $0xFFFFF830  }
0x65: {  	[tilespmem:s19], [sflag:$0x1] =	stream.linear.gather [hbm4b:s29+s2], $0x7D0, $0x38;
	[tilespmem:$0x1A900] =	vst v63  }
0x66: {  	s29 =	sadd.s32 $0x30D4, s30  }
0x67: {  	[tilespmem:s20], [sflag:$0x1] =	stream.linear.gather [hbm4b:s29+s2], $0x7D0, $0x38;
	[tilespmem:$0x1A900] =	vst v63  }
0x68: {  	_ =	swait.ge [sflag:s24], $0x7D0  }
0x69: {  	[sflag:s24] =	ssyncset.done $0x0  }
0x6a: {  	[sflag:s24] =	ssyncadd.s32 $0xFFFFF830  }
0x6b: {  	_ =	swait.ge [sflag:s24], $0x7D0  }
0x6c: {  	s0 =	sadd.s32 $0x31CE, s0;
	[sflag:s24] =	ssyncset.done $0x0  }
0x6d: {  	s30 =	sadd.s32 $0x31CE, s30;
	s29 =	simm.s32 $0xFFFFD314;
	[sflag:s24] =	ssyncadd.s32 $0xFFFFF830  }
0x6e: {  	[tilespmem:s21], [sflag:$0x2] =	stream.linear.gather [hbm4b:s0+s2], $0x7D0, $0x38;
	[tilespmem:$0x1A900] =	vst v63  }
.LBB2_4:
0x6f: {  	[tilespmem:s22], [sflag:$0x2] =	stream.linear.gather [hbm4b:s30+s2], $0x7D0, $0x38;
	[tilespmem:$0x1A900] =	vst v63  }
0x70: {  	s0 =	smov.u32 s29  }
0x71: {  	p0 =	sne.s32 s29, $0xFFFFFE0C;
	s29 =	sadd.s32 $0x1F4, s29;
	_ =	swait.ge [sflag:s23], $0x7D0  }
0x72: {  	[sflag:s23] =	ssyncset.done $0x0  }
0x73: {  	[sflag:s23] =	ssyncadd.s32 $0xFFFFF830  }
0x74: {  	_ =	swait.ge [sflag:s23], $0x7D0  }
0x75: {  	s30 =	sadd.s32 s0, s16;
	[sflag:s23] =	ssyncset.done $0x0  }
0x76: {  	s0 =	sadd.s32 s0, s15;
	s31 =	sadd.s32 $0x30D4, s30;
	[sflag:s23] =	ssyncadd.s32 $0xFFFFF830  }
0x77: {  	[tilespmem:s19], [sflag:$0x1] =	stream.linear.gather [hbm4b:s31+s2], $0x7D0, $0x38;
	[tilespmem:$0x1A900] =	vst v63  }
0x78: {  	s31 =	sadd.s32 $0x30D4, s0  }
0x79: {  	[tilespmem:s20], [sflag:$0x1] =	stream.linear.gather [hbm4b:s31+s2], $0x7D0, $0x38;
	[tilespmem:$0x1A900] =	vst v63  }
0x7a: {  	_ =	swait.ge [sflag:s24], $0x7D0  }
0x7b: {  	[sflag:s24] =	ssyncset.done $0x0  }
0x7c: {  	[sflag:s24] =	ssyncadd.s32 $0xFFFFF830  }
.Ltmp1:
0x7d: {  	_ =	swait.ge [sflag:s24], $0x7D0;
	(pc) =	sbr.rel @p0 .LBB2_4-.Ltmp1, $4  }
0x7e: {  	[sflag:s24] =	ssyncset.done $0x0  }
0x7f: {  	s30 =	sadd.s32 $0x31CE, s30;
	[sflag:s24] =	ssyncadd.s32 $0xFFFFF830  }
0x80: {  	[tilespmem:s21], [sflag:$0x2] =	stream.linear.gather [hbm4b:s30+s2], $0x7D0, $0x38;
	[tilespmem:$0x1A900] =	vst v63  }
0x81: {  	s30 =	sadd.s32 $0x31CE, s0  }
0x82: {  	[tilespmem:s22], [sflag:$0x2] =	stream.linear.gather [hbm4b:s30+s2], $0x7D0, $0x38;
	[tilespmem:$0x1A900] =	vst v63  }
0x83: {  	_ =	swait.ge [sflag:s23], $0x7D0  }
0x84: {  	[sflag:s23] =	ssyncset.done $0x0  }
0x85: {  	[sflag:s23] =	ssyncadd.s32 $0xFFFFF830  }
0x86: {  	_ =	swait.ge [sflag:s23], $0x7D0  }
0x87: {  	[sflag:s23] =	ssyncset.done $0x0  }
0x88: {  	[sflag:s23] =	ssyncadd.s32 $0xFFFFF830  }
0x89: {  	_ =	swait.ge [sflag:s24], $0x7D0  }
0x8a: {  	[sflag:s24] =	ssyncset.done $0x0  }
0x8b: {  	[sflag:s24] =	ssyncadd.s32 $0xFFFFF830  }
0x8c: {  	_ =	swait.ge [sflag:s24], $0x7D0  }
0x8d: {  	[sflag:s24] =	ssyncset.done $0x0  }
0x8e: {  	[sflag:s24] =	ssyncadd.s32 $0xFFFFF830  }
0x8f: {  	[hbm4b:s11+s2] =	stream.linear.scatter [tilespmem:s2], [sflag:$0x3], $0xC350, $0x38;
	[tilespmem:$0x1A900] =	vst v63  }
0x90: {  	_ = 	snop  }
0x91: {  	[tilespmem:s18], [sflag:$0x4] =	stream.linear.gather [hbm4b:s12+s2], $0x200, $0x38;
	[tilespmem:$0x1A900] =	vst v63  }
0x92: {  	_ =	swait.ge [sflag:s17], $0x200  }
0x93: {  	[sflag:s17] =	ssyncset.done $0x0  }
0x94: {  	[sflag:s17] =	ssyncadd.s32 $0xFFFFFE00  }
0x95: {  	_ =	swait.ge [sflag:s26], $0xC350  }
0x96: {  	[sflag:s26] =	ssyncset.done $0x0  }
0x97: {  	[sflag:s26] =	ssyncadd.s32 $0xFFFF3CB0  }
0x98: {  	[tilespmem:s19], [sflag:$0x1] =	stream.linear.gather [hbm4b:s5+s2], $0x7D0, $0x38;
	[tilespmem:$0x1A900] =	vst v63  }
0x99: {  	_ = 	snop  }
0x9a: {  	[tilespmem:s20], [sflag:$0x1] =	stream.linear.gather [hbm4b:s6+s2], $0x7D0, $0x38;
	[tilespmem:$0x1A900] =	vst v63  }
0x9b: {  	_ = 	snop  }
0x9c: {  	[tilespmem:s21], [sflag:$0x2] =	stream.linear.gather [hbm4b:s7+s2], $0x7D0, $0x38;
	[tilespmem:$0x1A900] =	vst v63  }
0x9d: {  	_ = 	snop  }
0x9e: {  	[tilespmem:s22], [sflag:$0x2] =	stream.linear.gather [hbm4b:s8+s2], $0x7D0, $0x38;
	[tilespmem:$0x1A900] =	vst v63  }
0x9f: {  	_ =	swait.ge [sflag:s23], $0x7D0  }
0xa0: {  	[sflag:s23] =	ssyncset.done $0x0  }
0xa1: {  	[sflag:s23] =	ssyncadd.s32 $0xFFFFF830  }
0xa2: {  	_ =	swait.ge [sflag:s23], $0x7D0  }
0xa3: {  	s0 =	sadd.s32 $0xFFFFD120, s16;
	[sflag:s23] =	ssyncset.done $0x0  }
0xa4: {  	s30 =	sadd.s32 $0xFFFFD120, s15;
	s29 =	sadd.s32 $0x30D4, s0;
	[sflag:s23] =	ssyncadd.s32 $0xFFFFF830  }
0xa5: {  	[tilespmem:s19], [sflag:$0x1] =	stream.linear.gather [hbm4b:s29+s2], $0x7D0, $0x38;
	[tilespmem:$0x1A900] =	vst v63  }
0xa6: {  	s29 =	sadd.s32 $0x30D4, s30  }
0xa7: {  	[tilespmem:s20], [sflag:$0x1] =	stream.linear.gather [hbm4b:s29+s2], $0x7D0, $0x38;
	[tilespmem:$0x1A900] =	vst v63  }
0xa8: {  	_ =	swait.ge [sflag:s24], $0x7D0  }
0xa9: {  	[sflag:s24] =	ssyncset.done $0x0  }
0xaa: {  	[sflag:s24] =	ssyncadd.s32 $0xFFFFF830  }
0xab: {  	_ =	swait.ge [sflag:s24], $0x7D0  }
0xac: {  	s0 =	sadd.s32 $0x31CE, s0;
	[sflag:s24] =	ssyncset.done $0x0  }
0xad: {  	s30 =	sadd.s32 $0x31CE, s30;
	s29 =	simm.s32 $0xFFFFD314;
	[sflag:s24] =	ssyncadd.s32 $0xFFFFF830  }
0xae: {  	[tilespmem:s21], [sflag:$0x2] =	stream.linear.gather [hbm4b:s0+s2], $0x7D0, $0x38;
	[tilespmem:$0x1A900] =	vst v63  }
.LBB2_6:
0xaf: {  	[tilespmem:s22], [sflag:$0x2] =	stream.linear.gather [hbm4b:s30+s2], $0x7D0, $0x38;
	[tilespmem:$0x1A900] =	vst v63  }
0xb0: {  	s0 =	smov.u32 s29  }
0xb1: {  	p0 =	sne.s32 s29, $0xFFFFFE0C;
	s29 =	sadd.s32 $0x1F4, s29;
	_ =	swait.ge [sflag:s23], $0x7D0  }
0xb2: {  	[sflag:s23] =	ssyncset.done $0x0  }
0xb3: {  	[sflag:s23] =	ssyncadd.s32 $0xFFFFF830  }
0xb4: {  	_ =	swait.ge [sflag:s23], $0x7D0  }
0xb5: {  	s30 =	sadd.s32 s0, s16;
	[sflag:s23] =	ssyncset.done $0x0  }
0xb6: {  	s0 =	sadd.s32 s0, s15;
	s31 =	sadd.s32 $0x30D4, s30;
	[sflag:s23] =	ssyncadd.s32 $0xFFFFF830  }
0xb7: {  	[tilespmem:s19], [sflag:$0x1] =	stream.linear.gather [hbm4b:s31+s2], $0x7D0, $0x38;
	[tilespmem:$0x1A900] =	vst v63  }
0xb8: {  	s31 =	sadd.s32 $0x30D4, s0  }
0xb9: {  	[tilespmem:s20], [sflag:$0x1] =	stream.linear.gather [hbm4b:s31+s2], $0x7D0, $0x38;
	[tilespmem:$0x1A900] =	vst v63  }
0xba: {  	_ =	swait.ge [sflag:s24], $0x7D0  }
0xbb: {  	[sflag:s24] =	ssyncset.done $0x0  }
0xbc: {  	[sflag:s24] =	ssyncadd.s32 $0xFFFFF830  }
.Ltmp2:
0xbd: {  	_ =	swait.ge [sflag:s24], $0x7D0;
	(pc) =	sbr.rel @p0 .LBB2_6-.Ltmp2, $4  }
0xbe: {  	[sflag:s24] =	ssyncset.done $0x0  }
0xbf: {  	s30 =	sadd.s32 $0x31CE, s30;
	[sflag:s24] =	ssyncadd.s32 $0xFFFFF830  }
0xc0: {  	[tilespmem:s21], [sflag:$0x2] =	stream.linear.gather [hbm4b:s30+s2], $0x7D0, $0x38;
	[tilespmem:$0x1A900] =	vst v63  }
0xc1: {  	s30 =	sadd.s32 $0x31CE, s0  }
0xc2: {  	[tilespmem:s22], [sflag:$0x2] =	stream.linear.gather [hbm4b:s30+s2], $0x7D0, $0x38;
	[tilespmem:$0x1A900] =	vst v63  }
0xc3: {  	_ =	swait.ge [sflag:s23], $0x7D0  }
0xc4: {  	[sflag:s23] =	ssyncset.done $0x0  }
0xc5: {  	[sflag:s23] =	ssyncadd.s32 $0xFFFFF830  }
0xc6: {  	_ =	swait.ge [sflag:s23], $0x7D0  }
0xc7: {  	[sflag:s23] =	ssyncset.done $0x0  }
0xc8: {  	[sflag:s23] =	ssyncadd.s32 $0xFFFFF830  }
0xc9: {  	_ =	swait.ge [sflag:s24], $0x7D0  }
0xca: {  	[sflag:s24] =	ssyncset.done $0x0  }
0xcb: {  	[sflag:s24] =	ssyncadd.s32 $0xFFFFF830  }
0xcc: {  	_ =	swait.ge [sflag:s24], $0x7D0  }
0xcd: {  	[sflag:s24] =	ssyncset.done $0x0  }
0xce: {  	s28 =	sadd.s32 $0x1, s28;
	[sflag:s24] =	ssyncadd.s32 $0xFFFFF830  }
0xcf: {  	[hbm4b:s13+s2] =	stream.linear.scatter [tilespmem:s25], [sflag:$0x3], $0xC350, $0x38;
	[tilespmem:$0x1A900] =	vst v63  }
0xd0: {  	p0 =	sne.s32 s28, s14;
	_ =	swait.ge [sflag:s26], $0xC350  }
.Ltmp3:
0xd1: {  	[sflag:s26] =	ssyncset.done $0x0;
	(pc) =	sbr.rel @p0 .LBB2_1-.Ltmp3, $4  }
0xd2: {  	[sflag:s26] =	ssyncadd.s32 $0xFFFF3CB0  }
0xd3: {  	_ =	swait.ge [sflag:s26], $0xC350  }
0xd4: {  	[sflag:s26] =	ssyncset.done $0x0  }
0xd5: {  	[sflag:s26] =	ssyncadd.s32 $0xFFFF3CB0  }
0xd6: {  	_ =	sfence.sel $0x180000  }
0xd7: {  	[bflag:$0x0] =	sbarrier.arrive $0xFFFF  }
0xd8: {  	_ =	strace $0x90000047  }
0xd9: {  	[bflag:$0x2] =	sbarrier.arrive $0xFFFF  }
0xda: {  	p0 =	sne.s32 s1, $0x0;
	s0 =	rddreg [dreg:$0x2]  }
0xdb: {  	s0 =	sadd.s32 @!p0 $0x100000, s0  }
0xdc: {  	[sflag:s0] =	ssyncadd.tile.s32 @!p0 $0x1;
	_ =	shalt  }
.Lfunc_end2:
_tile_overlayer_lowered:
.L_overlay_start_2:
0xdd: {  	(tag) =	ssettag $0x2  }
0xde: {  	s0 =	rddreg [dreg:$0x0];
	s2 =	stileid.u32  }
0xdf: {  	s1 =	rddreg [dreg:$0x1];
	p0 =	sne.s32 s2, $0x0  }
0xe0: {  	s3 =	rddreg [dreg:$0x2];
	[bflag:$0x3] =	sbarrier.arrive $0xFFFF;
	s2 =	simm.s32 @!p0 $0x1C04  }
0xe1: {  	[timem:s3], [sflag:s2] =	dma.local @!p0 [hbm:s0], s1  }
0xe2: {  	s0 =	simm.s32 @!p0 $0x4  }
0xe3: {  	_ =	swait.ge @!p0 [sflag:s0], s1  }
0xe4: {  	s1 =	ssub.s32 @!p0 $0x0, s1;
	[sflag:s0] =	ssyncset.done @!p0 $0x0  }
0xe5: {  	[sflag:s0] =	ssyncadd.s32 @!p0 s1  }
0xe6: {  	[bflag:$0x3] =	sbarrier.arrive $0xFFFF  }
0xe7: {  	_ =	shalt  }

</sc_bundles>
